<compile_context>
chip_gen: v7x
topology: tpu7x:2x2x1
jax: 0.10.2.dev20260603
libtpu: 0.0.44.dev20260713+nightly
codegen_flags: <defaults>
</compile_context>

<pallas_src>
import functools

import jax
import jax.numpy as jnp
from jax import lax
from jax.experimental import pallas as pl
from jax.experimental.pallas import tpu as pltpu
from jax.experimental.pallas import tpu_sc as plsc

MAXP = 32
NIDX = 2 * MAXP + 1
ZD = 128
LS = 512
NC, NS = 2, 16
NW = NC * NS
RPW = LS // NW
WIN = LS + RPW

_mesh = plsc.VectorSubcoreMesh(core_axis_name="c", subcore_axis_name="s")


@functools.partial(
    pl.kernel,
    mesh=_mesh,
    out_type=jax.ShapeDtypeStruct((LS, LS, ZD), jnp.float32),
    scratch_types=[
        pltpu.VMEM((NIDX, ZD), jnp.float32),
        pltpu.VMEM((WIN, ZD), jnp.float32),
        pltpu.SemaphoreType.DMA,
    ],
)
def _rel_pos_bias(table_hbm, out_hbm, table_v, win_v, sem):
    wid = lax.axis_index("s") * NC + lax.axis_index("c")
    row0 = wid * RPW
    m0 = (LS - 1) - (row0 + (RPW - 1))

    pltpu.sync_copy(table_hbm, table_v)

    HALF = LS // 2
    REST = LS - HALF
    CUT = HALF + RPW

    @plsc.parallel_loop(0, CUT, 1, unroll=8)
    def _build_lo(r):
        c = jnp.clip((LS - 1) - (m0 + r), -MAXP, MAXP) + MAXP
        for k in range(ZD // 16):
            win_v[r, pl.ds(k * 16, 16)] = table_v[c, pl.ds(k * 16, 16)]

    copies = []
    for t in range(RPW):
        cp = pltpu.make_async_copy(
            win_v.at[pl.ds((RPW - 1) - t, HALF)],
            out_hbm.at[row0 + t, pl.ds(0, HALF)],
            sem,
        )
        cp.start()
        copies.append(cp)

    @plsc.parallel_loop(CUT, WIN, 1, unroll=8)
    def _build_hi(r):
        c = jnp.clip((LS - 1) - (m0 + r), -MAXP, MAXP) + MAXP
        for k in range(ZD // 16):
            win_v[r, pl.ds(k * 16, 16)] = table_v[c, pl.ds(k * 16, 16)]

    for t in range(RPW):
        cp = pltpu.make_async_copy(
            win_v.at[pl.ds((RPW - 1) - t + HALF, REST)],
            out_hbm.at[row0 + t, pl.ds(HALF, REST)],
            sem,
        )
        cp.start()
        copies.append(cp)
    for cp in copies:
        cp.wait()


def kernel(L, embed_table):
    return _rel_pos_bias(embed_table)

# --- scband reference (transcript-rebuilt; emitter-appended) ---
"""Pipeline reference for scband-relative-position-bias-81784767250899 (READ-ONLY COPY).

The authoritative reference and input builder live on the scoring server;
editing this copy changes nothing except your own understanding.
"""

import jax, jax.numpy as jnp
import numpy as np

MAX_REL_POS = 32
Z_DIM = 128
L_STATIC = 512

def setup_inputs(seed: int = 0) -> dict:
    key = jax.random.key(seed)
    # nn.Embedding default init: N(0, 1)
    embed_table = jax.random.normal(key, (2 * MAX_REL_POS + 1, Z_DIM), dtype=jnp.float32)
    return {"L": 512, "embed_table": embed_table}

def reference(L, embed_table):
    pos = jnp.arange(L_STATIC) + (L - L_STATIC)
    rel_pos = pos[:, None] - pos[None, :]
    rel_pos = jnp.clip(rel_pos, -MAX_REL_POS, MAX_REL_POS) + MAX_REL_POS
    # embedding lookup -> [L, L, z_dim]
    return jnp.take(embed_table, rel_pos, axis=0)

if __name__ == "__main__":
    import jax
    _d = setup_inputs()
    print(jax.jit(kernel)(*tuple(_d.values())))

</pallas_src>

<mosaic_0001>
#map = affine_map<(d0, d1) -> (0, 0)>
#map1 = affine_map<(d0, d1) -> (0, 0, 0)>
module attributes {stable_mosaic.version = 14 : i64} {
  func.func @_rel_pos_bias(%arg0: i32, %arg1: i32, %arg2: memref<65x128xf32, #tpu.memory_space<hbm>>, %arg3: memref<512x512x128xf32, #tpu.memory_space<hbm>>, %arg4: memref<65x128xf32, #tpu.memory_space<vmem>>, %arg5: memref<528x128xf32, #tpu.memory_space<vmem>>, %arg6: memref<!tpu.dma_semaphore, #tpu.memory_space<semaphore_mem>>) attributes {dimension_semantics = [#tpu.dimension_semantics<core_parallel>, #tpu.dimension_semantics<subcore_parallel>], iteration_bounds = array<i64: 2, 16>, scalar_prefetch = 0 : i64, scratch_operands = 3 : i64, tpu.core_type = #tpu.core_type<sc_vector_subcore>, window_params = [{transform_indices = #map}, {transform_indices = #map1}]} {
    %mul3A = arith.constant 2 : i32
    %mul3A_0 = arith.muli %arg1, %mul3A : i32
    %add3A = arith.addi %mul3A_0, %arg0 : i32
    %mul3A_1 = arith.constant 16 : i32
    %mul3A_2 = arith.muli %add3A, %mul3A_1 : i32
    %add3A_3 = arith.constant 15 : i32
    %add3A_4 = arith.addi %mul3A_2, %add3A_3 : i32
    %sub3A = arith.constant 511 : i32
    %sub3A_5 = arith.subi %sub3A, %add3A_4 : i32
    "tpu.region"() ({
      %run_scoped3A = tpu.sem_alloc : memref<!tpu.dma_semaphore, #tpu.memory_space<semaphore_mem>>
      tpu.enqueue_dma source(%arg2 : memref<65x128xf32, #tpu.memory_space<hbm>>) target(%arg4 : memref<65x128xf32, #tpu.memory_space<vmem>>) target_semaphore(%run_scoped3A : memref<!tpu.dma_semaphore, #tpu.memory_space<semaphore_mem>>)
      tpu.wait_dma2 semaphore(%run_scoped3A : memref<!tpu.dma_semaphore, #tpu.memory_space<semaphore_mem>>) src(%arg2 : memref<65x128xf32, #tpu.memory_space<hbm>>) dst(%arg4 : memref<65x128xf32, #tpu.memory_space<vmem>>)
      tpu.yield
    }) : () -> ()
    %parallel_loop3A = arith.constant 0 : i32
    %parallel_loop3A_6 = arith.constant 272 : i32
    %parallel_loop3A_7 = arith.constant 1 : i32
    scf.for %parallel_loop3A_969 = %parallel_loop3A to %parallel_loop3A_6 step %parallel_loop3A_7  : i32 {
      %parallel_loop3A_970 = arith.addi %sub3A_5, %parallel_loop3A_969 : i32
      %parallel_loop3A_971 = arith.constant 511 : i32
      %parallel_loop3A_972 = arith.subi %parallel_loop3A_971, %parallel_loop3A_970 : i32
      %parallel_loop3A_973 = arith.constant -32 : i32
      %parallel_loop3A_974 = arith.constant 32 : i32
      %parallel_loop3A_975 = arith.maxsi %parallel_loop3A_973, %parallel_loop3A_972 : i32
      %parallel_loop3A_976 = arith.minsi %parallel_loop3A_974, %parallel_loop3A_975 : i32
      %parallel_loop3A_977 = arith.constant 32 : i32
      %parallel_loop3A_978 = arith.addi %parallel_loop3A_976, %parallel_loop3A_977 : i32
      %parallel_loop3A_979 = arith.index_cast %parallel_loop3A_978 : i32 to index
      %parallel_loop3A_980 = arith.constant 0 : index
      %parallel_loop3A_981 = tpu.vector_load %arg4[%parallel_loop3A_979, %parallel_loop3A_980] {strides = array<i32>} : memref<65x128xf32, #tpu.memory_space<vmem>>, vector<1x16xf32>,
      %parallel_loop3A_982 = vector.shape_cast %parallel_loop3A_981 : vector<1x16xf32> to vector<16xf32>
      %parallel_loop3A_983 = arith.index_cast %parallel_loop3A_969 : i32 to index
      %parallel_loop3A_984 = arith.constant 0 : index
      %parallel_loop3A_985 = tpu.vector_load %arg5[%parallel_loop3A_983, %parallel_loop3A_984] {strides = array<i32>} : memref<528x128xf32, #tpu.memory_space<vmem>>, vector<1x16xf32>,
      %parallel_loop3A_986 = vector.shape_cast %parallel_loop3A_985 : vector<1x16xf32> to vector<16xf32>
      %parallel_loop3A_987 = vector.shape_cast %parallel_loop3A_982 : vector<16xf32> to vector<1x16xf32>
      tpu.vector_store %arg5[%parallel_loop3A_983, %parallel_loop3A_984], %parallel_loop3A_987 {strides = array<i32>} : memref<528x128xf32, #tpu.memory_space<vmem>>, vector<1x16xf32>,
      %parallel_loop3A_988 = arith.index_cast %parallel_loop3A_978 : i32 to index
      %parallel_loop3A_989 = arith.constant 16 : index
      %parallel_loop3A_990 = tpu.vector_load %arg4[%parallel_loop3A_988, %parallel_loop3A_989] {strides = array<i32>} : memref<65x128xf32, #tpu.memory_space<vmem>>, vector<1x16xf32>,
      %parallel_loop3A_991 = vector.shape_cast %parallel_loop3A_990 : vector<1x16xf32> to vector<16xf32>
      %parallel_loop3A_992 = arith.index_cast %parallel_loop3A_969 : i32 to index
      %parallel_loop3A_993 = arith.constant 16 : index
      %parallel_loop3A_994 = tpu.vector_load %arg5[%parallel_loop3A_992, %parallel_loop3A_993] {strides = array<i32>} : memref<528x128xf32, #tpu.memory_space<vmem>>, vector<1x16xf32>,
      %parallel_loop3A_995 = vector.shape_cast %parallel_loop3A_994 : vector<1x16xf32> to vector<16xf32>
      %parallel_loop3A_996 = vector.shape_cast %parallel_loop3A_991 : vector<16xf32> to vector<1x16xf32>
      tpu.vector_store %arg5[%parallel_loop3A_992, %parallel_loop3A_993], %parallel_loop3A_996 {strides = array<i32>} : memref<528x128xf32, #tpu.memory_space<vmem>>, vector<1x16xf32>,
      %parallel_loop3A_997 = arith.index_cast %parallel_loop3A_978 : i32 to index
      %parallel_loop3A_998 = arith.constant 32 : index
      %parallel_loop3A_999 = tpu.vector_load %arg4[%parallel_loop3A_997, %parallel_loop3A_998] {strides = array<i32>} : memref<65x128xf32, #tpu.memory_space<vmem>>, vector<1x16xf32>,
      %parallel_loop3A_1000 = vector.shape_cast %parallel_loop3A_999 : vector<1x16xf32> to vector<16xf32>
      %parallel_loop3A_1001 = arith.index_cast %parallel_loop3A_969 : i32 to index
      %parallel_loop3A_1002 = arith.constant 32 : index
      %parallel_loop3A_1003 = tpu.vector_load %arg5[%parallel_loop3A_1001, %parallel_loop3A_1002] {strides = array<i32>} : memref<528x128xf32, #tpu.memory_space<vmem>>, vector<1x16xf32>,
      %parallel_loop3A_1004 = vector.shape_cast %parallel_loop3A_1003 : vector<1x16xf32> to vector<16xf32>
      %parallel_loop3A_1005 = vector.shape_cast %parallel_loop3A_1000 : vector<16xf32> to vector<1x16xf32>
      tpu.vector_store %arg5[%parallel_loop3A_1001, %parallel_loop3A_1002], %parallel_loop3A_1005 {strides = array<i32>} : memref<528x128xf32, #tpu.memory_space<vmem>>, vector<1x16xf32>,
      %parallel_loop3A_1006 = arith.index_cast %parallel_loop3A_978 : i32 to index
      %parallel_loop3A_1007 = arith.constant 48 : index
      %parallel_loop3A_1008 = tpu.vector_load %arg4[%parallel_loop3A_1006, %parallel_loop3A_1007] {strides = array<i32>} : memref<65x128xf32, #tpu.memory_space<vmem>>, vector<1x16xf32>,
      %parallel_loop3A_1009 = vector.shape_cast %parallel_loop3A_1008 : vector<1x16xf32> to vector<16xf32>
      %parallel_loop3A_1010 = arith.index_cast %parallel_loop3A_969 : i32 to index
      %parallel_loop3A_1011 = arith.constant 48 : index
      %parallel_loop3A_1012 = tpu.vector_load %arg5[%parallel_loop3A_1010, %parallel_loop3A_1011] {strides = array<i32>} : memref<528x128xf32, #tpu.memory_space<vmem>>, vector<1x16xf32>,
      %parallel_loop3A_1013 = vector.shape_cast %parallel_loop3A_1012 : vector<1x16xf32> to vector<16xf32>
      %parallel_loop3A_1014 = vector.shape_cast %parallel_loop3A_1009 : vector<16xf32> to vector<1x16xf32>
      tpu.vector_store %arg5[%parallel_loop3A_1010, %parallel_loop3A_1011], %parallel_loop3A_1014 {strides = array<i32>} : memref<528x128xf32, #tpu.memory_space<vmem>>, vector<1x16xf32>,
      %parallel_loop3A_1015 = arith.index_cast %parallel_loop3A_978 : i32 to index
      %parallel_loop3A_1016 = arith.constant 64 : index
      %parallel_loop3A_1017 = tpu.vector_load %arg4[%parallel_loop3A_1015, %parallel_loop3A_1016] {strides = array<i32>} : memref<65x128xf32, #tpu.memory_space<vmem>>, vector<1x16xf32>,
      %parallel_loop3A_1018 = vector.shape_cast %parallel_loop3A_1017 : vector<1x16xf32> to vector<16xf32>
      %parallel_loop3A_1019 = arith.index_cast %parallel_loop3A_969 : i32 to index
      %parallel_loop3A_1020 = arith.constant 64 : index
      %parallel_loop3A_1021 = tpu.vector_load %arg5[%parallel_loop3A_1019, %parallel_loop3A_1020] {strides = array<i32>} : memref<528x128xf32, #tpu.memory_space<vmem>>, vector<1x16xf32>,
      %parallel_loop3A_1022 = vector.shape_cast %parallel_loop3A_1021 : vector<1x16xf32> to vector<16xf32>
      %parallel_loop3A_1023 = vector.shape_cast %parallel_loop3A_1018 : vector<16xf32> to vector<1x16xf32>
      tpu.vector_store %arg5[%parallel_loop3A_1019, %parallel_loop3A_1020], %parallel_loop3A_1023 {strides = array<i32>} : memref<528x128xf32, #tpu.memory_space<vmem>>, vector<1x16xf32>,
      %parallel_loop3A_1024 = arith.index_cast %parallel_loop3A_978 : i32 to index
      %parallel_loop3A_1025 = arith.constant 80 : index
      %parallel_loop3A_1026 = tpu.vector_load %arg4[%parallel_loop3A_1024, %parallel_loop3A_1025] {strides = array<i32>} : memref<65x128xf32, #tpu.memory_space<vmem>>, vector<1x16xf32>,
      %parallel_loop3A_1027 = vector.shape_cast %parallel_loop3A_1026 : vector<1x16xf32> to vector<16xf32>
      %parallel_loop3A_1028 = arith.index_cast %parallel_loop3A_969 : i32 to index
      %parallel_loop3A_1029 = arith.constant 80 : index
      %parallel_loop3A_1030 = tpu.vector_load %arg5[%parallel_loop3A_1028, %parallel_loop3A_1029] {strides = array<i32>} : memref<528x128xf32, #tpu.memory_space<vmem>>, vector<1x16xf32>,
      %parallel_loop3A_1031 = vector.shape_cast %parallel_loop3A_1030 : vector<1x16xf32> to vector<16xf32>
      %parallel_loop3A_1032 = vector.shape_cast %parallel_loop3A_1027 : vector<16xf32> to vector<1x16xf32>
      tpu.vector_store %arg5[%parallel_loop3A_1028, %parallel_loop3A_1029], %parallel_loop3A_1032 {strides = array<i32>} : memref<528x128xf32, #tpu.memory_space<vmem>>, vector<1x16xf32>,
      %parallel_loop3A_1033 = arith.index_cast %parallel_loop3A_978 : i32 to index
      %parallel_loop3A_1034 = arith.constant 96 : index
      %parallel_loop3A_1035 = tpu.vector_load %arg4[%parallel_loop3A_1033, %parallel_loop3A_1034] {strides = array<i32>} : memref<65x128xf32, #tpu.memory_space<vmem>>, vector<1x16xf32>,
      %parallel_loop3A_1036 = vector.shape_cast %parallel_loop3A_1035 : vector<1x16xf32> to vector<16xf32>
      %parallel_loop3A_1037 = arith.index_cast %parallel_loop3A_969 : i32 to index
      %parallel_loop3A_1038 = arith.constant 96 : index
      %parallel_loop3A_1039 = tpu.vector_load %arg5[%parallel_loop3A_1037, %parallel_loop3A_1038] {strides = array<i32>} : memref<528x128xf32, #tpu.memory_space<vmem>>, vector<1x16xf32>,
      %parallel_loop3A_1040 = vector.shape_cast %parallel_loop3A_1039 : vector<1x16xf32> to vector<16xf32>
      %parallel_loop3A_1041 = vector.shape_cast %parallel_loop3A_1036 : vector<16xf32> to vector<1x16xf32>
      tpu.vector_store %arg5[%parallel_loop3A_1037, %parallel_loop3A_1038], %parallel_loop3A_1041 {strides = array<i32>} : memref<528x128xf32, #tpu.memory_space<vmem>>, vector<1x16xf32>,
      %parallel_loop3A_1042 = arith.index_cast %parallel_loop3A_978 : i32 to index
      %parallel_loop3A_1043 = arith.constant 112 : index
      %parallel_loop3A_1044 = tpu.vector_load %arg4[%parallel_loop3A_1042, %parallel_loop3A_1043] {strides = array<i32>} : memref<65x128xf32, #tpu.memory_space<vmem>>, vector<1x16xf32>,
      %parallel_loop3A_1045 = vector.shape_cast %parallel_loop3A_1044 : vector<1x16xf32> to vector<16xf32>
      %parallel_loop3A_1046 = arith.index_cast %parallel_loop3A_969 : i32 to index
      %parallel_loop3A_1047 = arith.constant 112 : index
      %parallel_loop3A_1048 = tpu.vector_load %arg5[%parallel_loop3A_1046, %parallel_loop3A_1047] {strides = array<i32>} : memref<528x128xf32, #tpu.memory_space<vmem>>, vector<1x16xf32>,
      %parallel_loop3A_1049 = vector.shape_cast %parallel_loop3A_1048 : vector<1x16xf32> to vector<16xf32>
      %parallel_loop3A_1050 = vector.shape_cast %parallel_loop3A_1045 : vector<16xf32> to vector<1x16xf32>
      tpu.vector_store %arg5[%parallel_loop3A_1046, %parallel_loop3A_1047], %parallel_loop3A_1050 {strides = array<i32>} : memref<528x128xf32, #tpu.memory_space<vmem>>, vector<1x16xf32>,
    } {sc.loop_unroll_factor = 8 : i64, sc.parallel_access}
    %add3A_8 = arith.constant 0 : i32
    %add3A_9 = arith.addi %mul3A_2, %add3A_8 : i32
    %dma_start3A = arith.constant 15 : i32
    %dma_start3A_10 = arith.constant 0 : i32
    %dma_start3A_11 = tpu.memref_slice %arg5[%dma_start3A, %dma_start3A_10] : memref<528x128xf32, #tpu.memory_space<vmem>> -> memref<256x128xf32, #tpu.memory_space<vmem>>
    %dma_start3A_12 = arith.constant 0 : i32
    %dma_start3A_13 = arith.constant 0 : i32
    %dma_start3A_14 = tpu.memref_slice %arg3[%add3A_9, %dma_start3A_12, %dma_start3A_13] : memref<512x512x128xf32, #tpu.memory_space<hbm>> -> memref<1x256x128xf32, #tpu.memory_space<hbm>>
    %dma_start3A_15 = tpu.memref_squeeze %dma_start3A_14 : memref<1x256x128xf32, #tpu.memory_space<hbm>> -> memref<256x128xf32, #tpu.memory_space<hbm>>
    %dma_start3A_16 = arith.constant 0 : i32
    %dma_start3A_17 = arith.constant 0 : i32
    %dma_start3A_18 = tpu.memref_slice %arg3[%add3A_9, %dma_start3A_16, %dma_start3A_17] : memref<512x512x128xf32, #tpu.memory_space<hbm>> -> memref<1x256x128xf32, #tpu.memory_space<hbm>>
    %dma_start3A_19 = tpu.memref_squeeze %dma_start3A_18 : memref<1x256x128xf32, #tpu.memory_space<hbm>> -> memref<256x128xf32, #tpu.memory_space<hbm>>
    %dma_start3A_20 = arith.constant 15 : i32
    %dma_start3A_21 = arith.constant 0 : i32
    %dma_start3A_22 = tpu.memref_slice %arg5[%dma_start3A_20, %dma_start3A_21] : memref<528x128xf32, #tpu.memory_space<vmem>> -> memref<256x128xf32, #tpu.memory_space<vmem>>
    tpu.enqueue_dma source(%dma_start3A_22 : memref<256x128xf32, #tpu.memory_space<vmem>>) target(%dma_start3A_19 : memref<256x128xf32, #tpu.memory_space<hbm>>) target_semaphore(%arg6 : memref<!tpu.dma_semaphore, #tpu.memory_space<semaphore_mem>>)
    %add3A_23 = arith.constant 1 : i32
    %add3A_24 = arith.addi %mul3A_2, %add3A_23 : i32
    %dma_start3A_25 = arith.constant 14 : i32
    %dma_start3A_26 = arith.constant 0 : i32
    %dma_start3A_27 = tpu.memref_slice %arg5[%dma_start3A_25, %dma_start3A_26] : memref<528x128xf32, #tpu.memory_space<vmem>> -> memref<256x128xf32, #tpu.memory_space<vmem>>
    %dma_start3A_28 = arith.constant 0 : i32
    %dma_start3A_29 = arith.constant 0 : i32
    %dma_start3A_30 = tpu.memref_slice %arg3[%add3A_24, %dma_start3A_28, %dma_start3A_29] : memref<512x512x128xf32, #tpu.memory_space<hbm>> -> memref<1x256x128xf32, #tpu.memory_space<hbm>>
    %dma_start3A_31 = tpu.memref_squeeze %dma_start3A_30 : memref<1x256x128xf32, #tpu.memory_space<hbm>> -> memref<256x128xf32, #tpu.memory_space<hbm>>
    %dma_start3A_32 = arith.constant 0 : i32
    %dma_start3A_33 = arith.constant 0 : i32
    %dma_start3A_34 = tpu.memref_slice %arg3[%add3A_24, %dma_start3A_32, %dma_start3A_33] : memref<512x512x128xf32, #tpu.memory_space<hbm>> -> memref<1x256x128xf32, #tpu.memory_space<hbm>>
    %dma_start3A_35 = tpu.memref_squeeze %dma_start3A_34 : memref<1x256x128xf32, #tpu.memory_space<hbm>> -> memref<256x128xf32, #tpu.memory_space<hbm>>
    %dma_start3A_36 = arith.constant 14 : i32
    %dma_start3A_37 = arith.constant 0 : i32
    %dma_start3A_38 = tpu.memref_slice %arg5[%dma_start3A_36, %dma_start3A_37] : memref<528x128xf32, #tpu.memory_space<vmem>> -> memref<256x128xf32, #tpu.memory_space<vmem>>
    tpu.enqueue_dma source(%dma_start3A_38 : memref<256x128xf32, #tpu.memory_space<vmem>>) target(%dma_start3A_35 : memref<256x128xf32, #tpu.memory_space<hbm>>) target_semaphore(%arg6 : memref<!tpu.dma_semaphore, #tpu.memory_space<semaphore_mem>>)
    %add3A_39 = arith.constant 2 : i32
    %add3A_40 = arith.addi %mul3A_2, %add3A_39 : i32
    %dma_start3A_41 = arith.constant 13 : i32
    %dma_start3A_42 = arith.constant 0 : i32
    %dma_start3A_43 = tpu.memref_slice %arg5[%dma_start3A_41, %dma_start3A_42] : memref<528x128xf32, #tpu.memory_space<vmem>> -> memref<256x128xf32, #tpu.memory_space<vmem>>
    %dma_start3A_44 = arith.constant 0 : i32
    %dma_start3A_45 = arith.constant 0 : i32
    %dma_start3A_46 = tpu.memref_slice %arg3[%add3A_40, %dma_start3A_44, %dma_start3A_45] : memref<512x512x128xf32, #tpu.memory_space<hbm>> -> memref<1x256x128xf32, #tpu.memory_space<hbm>>
    %dma_start3A_47 = tpu.memref_squeeze %dma_start3A_46 : memref<1x256x128xf32, #tpu.memory_space<hbm>> -> memref<256x128xf32, #tpu.memory_space<hbm>>
    %dma_start3A_48 = arith.constant 0 : i32
    %dma_start3A_49 = arith.constant 0 : i32
    %dma_start3A_50 = tpu.memref_slice %arg3[%add3A_40, %dma_start3A_48, %dma_start3A_49] : memref<512x512x128xf32, #tpu.memory_space<hbm>> -> memref<1x256x128xf32, #tpu.memory_space<hbm>>
    %dma_start3A_51 = tpu.memref_squeeze %dma_start3A_50 : memref<1x256x128xf32, #tpu.memory_space<hbm>> -> memref<256x128xf32, #tpu.memory_space<hbm>>
    %dma_start3A_52 = arith.constant 13 : i32
    %dma_start3A_53 = arith.constant 0 : i32
    %dma_start3A_54 = tpu.memref_slice %arg5[%dma_start3A_52, %dma_start3A_53] : memref<528x128xf32, #tpu.memory_space<vmem>> -> memref<256x128xf32, #tpu.memory_space<vmem>>
    tpu.enqueue_dma source(%dma_start3A_54 : memref<256x128xf32, #tpu.memory_space<vmem>>) target(%dma_start3A_51 : memref<256x128xf32, #tpu.memory_space<hbm>>) target_semaphore(%arg6 : memref<!tpu.dma_semaphore, #tpu.memory_space<semaphore_mem>>)
    %add3A_55 = arith.constant 3 : i32
    %add3A_56 = arith.addi %mul3A_2, %add3A_55 : i32
    %dma_start3A_57 = arith.constant 12 : i32
    %dma_start3A_58 = arith.constant 0 : i32
    %dma_start3A_59 = tpu.memref_slice %arg5[%dma_start3A_57, %dma_start3A_58] : memref<528x128xf32, #tpu.memory_space<vmem>> -> memref<256x128xf32, #tpu.memory_space<vmem>>
    %dma_start3A_60 = arith.constant 0 : i32
    %dma_start3A_61 = arith.constant 0 : i32
    %dma_start3A_62 = tpu.memref_slice %arg3[%add3A_56, %dma_start3A_60, %dma_start3A_61] : memref<512x512x128xf32, #tpu.memory_space<hbm>> -> memref<1x256x128xf32, #tpu.memory_space<hbm>>
    %dma_start3A_63 = tpu.memref_squeeze %dma_start3A_62 : memref<1x256x128xf32, #tpu.memory_space<hbm>> -> memref<256x128xf32, #tpu.memory_space<hbm>>
    %dma_start3A_64 = arith.constant 0 : i32
    %dma_start3A_65 = arith.constant 0 : i32
    %dma_start3A_66 = tpu.memref_slice %arg3[%add3A_56, %dma_start3A_64, %dma_start3A_65] : memref<512x512x128xf32, #tpu.memory_space<hbm>> -> memref<1x256x128xf32, #tpu.memory_space<hbm>>
    %dma_start3A_67 = tpu.memref_squeeze %dma_start3A_66 : memref<1x256x128xf32, #tpu.memory_space<hbm>> -> memref<256x128xf32, #tpu.memory_space<hbm>>
    %dma_start3A_68 = arith.constant 12 : i32
    %dma_start3A_69 = arith.constant 0 : i32
    %dma_start3A_70 = tpu.memref_slice %arg5[%dma_start3A_68, %dma_start3A_69] : memref<528x128xf32, #tpu.memory_space<vmem>> -> memref<256x128xf32, #tpu.memory_space<vmem>>
    tpu.enqueue_dma source(%dma_start3A_70 : memref<256x128xf32, #tpu.memory_space<vmem>>) target(%dma_start3A_67 : memref<256x128xf32, #tpu.memory_space<hbm>>) target_semaphore(%arg6 : memref<!tpu.dma_semaphore, #tpu.memory_space<semaphore_mem>>)
    %add3A_71 = arith.constant 4 : i32
    %add3A_72 = arith.addi %mul3A_2, %add3A_71 : i32
    %dma_start3A_73 = arith.constant 11 : i32
    %dma_start3A_74 = arith.constant 0 : i32
    %dma_start3A_75 = tpu.memref_slice %arg5[%dma_start3A_73, %dma_start3A_74] : memref<528x128xf32, #tpu.memory_space<vmem>> -> memref<256x128xf32, #tpu.memory_space<vmem>>
    %dma_start3A_76 = arith.constant 0 : i32
    %dma_start3A_77 = arith.constant 0 : i32
    %dma_start3A_78 = tpu.memref_slice %arg3[%add3A_72, %dma_start3A_76, %dma_start3A_77] : memref<512x512x128xf32, #tpu.memory_space<hbm>> -> memref<1x256x128xf32, #tpu.memory_space<hbm>>
    %dma_start3A_79 = tpu.memref_squeeze %dma_start3A_78 : memref<1x256x128xf32, #tpu.memory_space<hbm>> -> memref<256x128xf32, #tpu.memory_space<hbm>>
    %dma_start3A_80 = arith.constant 0 : i32
    %dma_start3A_81 = arith.constant 0 : i32
    %dma_start3A_82 = tpu.memref_slice %arg3[%add3A_72, %dma_start3A_80, %dma_start3A_81] : memref<512x512x128xf32, #tpu.memory_space<hbm>> -> memref<1x256x128xf32, #tpu.memory_space<hbm>>
    %dma_start3A_83 = tpu.memref_squeeze %dma_start3A_82 : memref<1x256x128xf32, #tpu.memory_space<hbm>> -> memref<256x128xf32, #tpu.memory_space<hbm>>
    %dma_start3A_84 = arith.constant 11 : i32
    %dma_start3A_85 = arith.constant 0 : i32
    %dma_start3A_86 = tpu.memref_slice %arg5[%dma_start3A_84, %dma_start3A_85] : memref<528x128xf32, #tpu.memory_space<vmem>> -> memref<256x128xf32, #tpu.memory_space<vmem>>
    tpu.enqueue_dma source(%dma_start3A_86 : memref<256x128xf32, #tpu.memory_space<vmem>>) target(%dma_start3A_83 : memref<256x128xf32, #tpu.memory_space<hbm>>) target_semaphore(%arg6 : memref<!tpu.dma_semaphore, #tpu.memory_space<semaphore_mem>>)
    %add3A_87 = arith.constant 5 : i32
    %add3A_88 = arith.addi %mul3A_2, %add3A_87 : i32
    %dma_start3A_89 = arith.constant 10 : i32
    %dma_start3A_90 = arith.constant 0 : i32
    %dma_start3A_91 = tpu.memref_slice %arg5[%dma_start3A_89, %dma_start3A_90] : memref<528x128xf32, #tpu.memory_space<vmem>> -> memref<256x128xf32, #tpu.memory_space<vmem>>
    %dma_start3A_92 = arith.constant 0 : i32
    %dma_start3A_93 = arith.constant 0 : i32
    %dma_start3A_94 = tpu.memref_slice %arg3[%add3A_88, %dma_start3A_92, %dma_start3A_93] : memref<512x512x128xf32, #tpu.memory_space<hbm>> -> memref<1x256x128xf32, #tpu.memory_space<hbm>>
    %dma_start3A_95 = tpu.memref_squeeze %dma_start3A_94 : memref<1x256x128xf32, #tpu.memory_space<hbm>> -> memref<256x128xf32, #tpu.memory_space<hbm>>
    %dma_start3A_96 = arith.constant 0 : i32
    %dma_start3A_97 = arith.constant 0 : i32
    %dma_start3A_98 = tpu.memref_slice %arg3[%add3A_88, %dma_start3A_96, %dma_start3A_97] : memref<512x512x128xf32, #tpu.memory_space<hbm>> -> memref<1x256x128xf32, #tpu.memory_space<hbm>>
    %dma_start3A_99 = tpu.memref_squeeze %dma_start3A_98 : memref<1x256x128xf32, #tpu.memory_space<hbm>> -> memref<256x128xf32, #tpu.memory_space<hbm>>
    %dma_start3A_100 = arith.constant 10 : i32
    %dma_start3A_101 = arith.constant 0 : i32
    %dma_start3A_102 = tpu.memref_slice %arg5[%dma_start3A_100, %dma_start3A_101] : memref<528x128xf32, #tpu.memory_space<vmem>> -> memref<256x128xf32, #tpu.memory_space<vmem>>
    tpu.enqueue_dma source(%dma_start3A_102 : memref<256x128xf32, #tpu.memory_space<vmem>>) target(%dma_start3A_99 : memref<256x128xf32, #tpu.memory_space<hbm>>) target_semaphore(%arg6 : memref<!tpu.dma_semaphore, #tpu.memory_space<semaphore_mem>>)
    %add3A_103 = arith.constant 6 : i32
    %add3A_104 = arith.addi %mul3A_2, %add3A_103 : i32
    %dma_start3A_105 = arith.constant 9 : i32
    %dma_start3A_106 = arith.constant 0 : i32
    %dma_start3A_107 = tpu.memref_slice %arg5[%dma_start3A_105, %dma_start3A_106] : memref<528x128xf32, #tpu.memory_space<vmem>> -> memref<256x128xf32, #tpu.memory_space<vmem>>
    %dma_start3A_108 = arith.constant 0 : i32
    %dma_start3A_109 = arith.constant 0 : i32
    %dma_start3A_110 = tpu.memref_slice %arg3[%add3A_104, %dma_start3A_108, %dma_start3A_109] : memref<512x512x128xf32, #tpu.memory_space<hbm>> -> memref<1x256x128xf32, #tpu.memory_space<hbm>>
    %dma_start3A_111 = tpu.memref_squeeze %dma_start3A_110 : memref<1x256x128xf32, #tpu.memory_space<hbm>> -> memref<256x128xf32, #tpu.memory_space<hbm>>
    %dma_start3A_112 = arith.constant 0 : i32
    %dma_start3A_113 = arith.constant 0 : i32
    %dma_start3A_114 = tpu.memref_slice %arg3[%add3A_104, %dma_start3A_112, %dma_start3A_113] : memref<512x512x128xf32, #tpu.memory_space<hbm>> -> memref<1x256x128xf32, #tpu.memory_space<hbm>>
    %dma_start3A_115 = tpu.memref_squeeze %dma_start3A_114 : memref<1x256x128xf32, #tpu.memory_space<hbm>> -> memref<256x128xf32, #tpu.memory_space<hbm>>
    %dma_start3A_116 = arith.constant 9 : i32
    %dma_start3A_117 = arith.constant 0 : i32
    %dma_start3A_118 = tpu.memref_slice %arg5[%dma_start3A_116, %dma_start3A_117] : memref<528x128xf32, #tpu.memory_space<vmem>> -> memref<256x128xf32, #tpu.memory_space<vmem>>
    tpu.enqueue_dma source(%dma_start3A_118 : memref<256x128xf32, #tpu.memory_space<vmem>>) target(%dma_start3A_115 : memref<256x128xf32, #tpu.memory_space<hbm>>) target_semaphore(%arg6 : memref<!tpu.dma_semaphore, #tpu.memory_space<semaphore_mem>>)
    %add3A_119 = arith.constant 7 : i32
    %add3A_120 = arith.addi %mul3A_2, %add3A_119 : i32
    %dma_start3A_121 = arith.constant 8 : i32
    %dma_start3A_122 = arith.constant 0 : i32
    %dma_start3A_123 = tpu.memref_slice %arg5[%dma_start3A_121, %dma_start3A_122] : memref<528x128xf32, #tpu.memory_space<vmem>> -> memref<256x128xf32, #tpu.memory_space<vmem>>
    %dma_start3A_124 = arith.constant 0 : i32
    %dma_start3A_125 = arith.constant 0 : i32
    %dma_start3A_126 = tpu.memref_slice %arg3[%add3A_120, %dma_start3A_124, %dma_start3A_125] : memref<512x512x128xf32, #tpu.memory_space<hbm>> -> memref<1x256x128xf32, #tpu.memory_space<hbm>>
    %dma_start3A_127 = tpu.memref_squeeze %dma_start3A_126 : memref<1x256x128xf32, #tpu.memory_space<hbm>> -> memref<256x128xf32, #tpu.memory_space<hbm>>
    %dma_start3A_128 = arith.constant 0 : i32
    %dma_start3A_129 = arith.constant 0 : i32
    %dma_start3A_130 = tpu.memref_slice %arg3[%add3A_120, %dma_start3A_128, %dma_start3A_129] : memref<512x512x128xf32, #tpu.memory_space<hbm>> -> memref<1x256x128xf32, #tpu.memory_space<hbm>>
    %dma_start3A_131 = tpu.memref_squeeze %dma_start3A_130 : memref<1x256x128xf32, #tpu.memory_space<hbm>> -> memref<256x128xf32, #tpu.memory_space<hbm>>
    %dma_start3A_132 = arith.constant 8 : i32
    %dma_start3A_133 = arith.constant 0 : i32
    %dma_start3A_134 = tpu.memref_slice %arg5[%dma_start3A_132, %dma_start3A_133] : memref<528x128xf32, #tpu.memory_space<vmem>> -> memref<256x128xf32, #tpu.memory_space<vmem>>
    tpu.enqueue_dma source(%dma_start3A_134 : memref<256x128xf32, #tpu.memory_space<vmem>>) target(%dma_start3A_131 : memref<256x128xf32, #tpu.memory_space<hbm>>) target_semaphore(%arg6 : memref<!tpu.dma_semaphore, #tpu.memory_space<semaphore_mem>>)
    %add3A_135 = arith.constant 8 : i32
    %add3A_136 = arith.addi %mul3A_2, %add3A_135 : i32
    %dma_start3A_137 = arith.constant 7 : i32
    %dma_start3A_138 = arith.constant 0 : i32
    %dma_start3A_139 = tpu.memref_slice %arg5[%dma_start3A_137, %dma_start3A_138] : memref<528x128xf32, #tpu.memory_space<vmem>> -> memref<256x128xf32, #tpu.memory_space<vmem>>
    %dma_start3A_140 = arith.constant 0 : i32
    %dma_start3A_141 = arith.constant 0 : i32
    %dma_start3A_142 = tpu.memref_slice %arg3[%add3A_136, %dma_start3A_140, %dma_start3A_141] : memref<512x512x128xf32, #tpu.memory_space<hbm>> -> memref<1x256x128xf32, #tpu.memory_space<hbm>>
    %dma_start3A_143 = tpu.memref_squeeze %dma_start3A_142 : memref<1x256x128xf32, #tpu.memory_space<hbm>> -> memref<256x128xf32, #tpu.memory_space<hbm>>
    %dma_start3A_144 = arith.constant 0 : i32
    %dma_start3A_145 = arith.constant 0 : i32
    %dma_start3A_146 = tpu.memref_slice %arg3[%add3A_136, %dma_start3A_144, %dma_start3A_145] : memref<512x512x128xf32, #tpu.memory_space<hbm>> -> memref<1x256x128xf32, #tpu.memory_space<hbm>>
    %dma_start3A_147 = tpu.memref_squeeze %dma_start3A_146 : memref<1x256x128xf32, #tpu.memory_space<hbm>> -> memref<256x128xf32, #tpu.memory_space<hbm>>
    %dma_start3A_148 = arith.constant 7 : i32
    %dma_start3A_149 = arith.constant 0 : i32
    %dma_start3A_150 = tpu.memref_slice %arg5[%dma_start3A_148, %dma_start3A_149] : memref<528x128xf32, #tpu.memory_space<vmem>> -> memref<256x128xf32, #tpu.memory_space<vmem>>
    tpu.enqueue_dma source(%dma_start3A_150 : memref<256x128xf32, #tpu.memory_space<vmem>>) target(%dma_start3A_147 : memref<256x128xf32, #tpu.memory_space<hbm>>) target_semaphore(%arg6 : memref<!tpu.dma_semaphore, #tpu.memory_space<semaphore_mem>>)
    %add3A_151 = arith.constant 9 : i32
    %add3A_152 = arith.addi %mul3A_2, %add3A_151 : i32
    %dma_start3A_153 = arith.constant 6 : i32
    %dma_start3A_154 = arith.constant 0 : i32
    %dma_start3A_155 = tpu.memref_slice %arg5[%dma_start3A_153, %dma_start3A_154] : memref<528x128xf32, #tpu.memory_space<vmem>> -> memref<256x128xf32, #tpu.memory_space<vmem>>
    %dma_start3A_156 = arith.constant 0 : i32
    %dma_start3A_157 = arith.constant 0 : i32
    %dma_start3A_158 = tpu.memref_slice %arg3[%add3A_152, %dma_start3A_156, %dma_start3A_157] : memref<512x512x128xf32, #tpu.memory_space<hbm>> -> memref<1x256x128xf32, #tpu.memory_space<hbm>>
    %dma_start3A_159 = tpu.memref_squeeze %dma_start3A_158 : memref<1x256x128xf32, #tpu.memory_space<hbm>> -> memref<256x128xf32, #tpu.memory_space<hbm>>
    %dma_start3A_160 = arith.constant 0 : i32
    %dma_start3A_161 = arith.constant 0 : i32
    %dma_start3A_162 = tpu.memref_slice %arg3[%add3A_152, %dma_start3A_160, %dma_start3A_161] : memref<512x512x128xf32, #tpu.memory_space<hbm>> -> memref<1x256x128xf32, #tpu.memory_space<hbm>>
    %dma_start3A_163 = tpu.memref_squeeze %dma_start3A_162 : memref<1x256x128xf32, #tpu.memory_space<hbm>> -> memref<256x128xf32, #tpu.memory_space<hbm>>
    %dma_start3A_164 = arith.constant 6 : i32
    %dma_start3A_165 = arith.constant 0 : i32
    %dma_start3A_166 = tpu.memref_slice %arg5[%dma_start3A_164, %dma_start3A_165] : memref<528x128xf32, #tpu.memory_space<vmem>> -> memref<256x128xf32, #tpu.memory_space<vmem>>
    tpu.enqueue_dma source(%dma_start3A_166 : memref<256x128xf32, #tpu.memory_space<vmem>>) target(%dma_start3A_163 : memref<256x128xf32, #tpu.memory_space<hbm>>) target_semaphore(%arg6 : memref<!tpu.dma_semaphore, #tpu.memory_space<semaphore_mem>>)
    %add3A_167 = arith.constant 10 : i32
    %add3A_168 = arith.addi %mul3A_2, %add3A_167 : i32
    %dma_start3A_169 = arith.constant 5 : i32
    %dma_start3A_170 = arith.constant 0 : i32
    %dma_start3A_171 = tpu.memref_slice %arg5[%dma_start3A_169, %dma_start3A_170] : memref<528x128xf32, #tpu.memory_space<vmem>> -> memref<256x128xf32, #tpu.memory_space<vmem>>
    %dma_start3A_172 = arith.constant 0 : i32
    %dma_start3A_173 = arith.constant 0 : i32
    %dma_start3A_174 = tpu.memref_slice %arg3[%add3A_168, %dma_start3A_172, %dma_start3A_173] : memref<512x512x128xf32, #tpu.memory_space<hbm>> -> memref<1x256x128xf32, #tpu.memory_space<hbm>>
    %dma_start3A_175 = tpu.memref_squeeze %dma_start3A_174 : memref<1x256x128xf32, #tpu.memory_space<hbm>> -> memref<256x128xf32, #tpu.memory_space<hbm>>
    %dma_start3A_176 = arith.constant 0 : i32
    %dma_start3A_177 = arith.constant 0 : i32
    %dma_start3A_178 = tpu.memref_slice %arg3[%add3A_168, %dma_start3A_176, %dma_start3A_177] : memref<512x512x128xf32, #tpu.memory_space<hbm>> -> memref<1x256x128xf32, #tpu.memory_space<hbm>>
    %dma_start3A_179 = tpu.memref_squeeze %dma_start3A_178 : memref<1x256x128xf32, #tpu.memory_space<hbm>> -> memref<256x128xf32, #tpu.memory_space<hbm>>
    %dma_start3A_180 = arith.constant 5 : i32
    %dma_start3A_181 = arith.constant 0 : i32
    %dma_start3A_182 = tpu.memref_slice %arg5[%dma_start3A_180, %dma_start3A_181] : memref<528x128xf32, #tpu.memory_space<vmem>> -> memref<256x128xf32, #tpu.memory_space<vmem>>
    tpu.enqueue_dma source(%dma_start3A_182 : memref<256x128xf32, #tpu.memory_space<vmem>>) target(%dma_start3A_179 : memref<256x128xf32, #tpu.memory_space<hbm>>) target_semaphore(%arg6 : memref<!tpu.dma_semaphore, #tpu.memory_space<semaphore_mem>>)
    %add3A_183 = arith.constant 11 : i32
    %add3A_184 = arith.addi %mul3A_2, %add3A_183 : i32
    %dma_start3A_185 = arith.constant 4 : i32
    %dma_start3A_186 = arith.constant 0 : i32
    %dma_start3A_187 = tpu.memref_slice %arg5[%dma_start3A_185, %dma_start3A_186] : memref<528x128xf32, #tpu.memory_space<vmem>> -> memref<256x128xf32, #tpu.memory_space<vmem>>
    %dma_start3A_188 = arith.constant 0 : i32
    %dma_start3A_189 = arith.constant 0 : i32
    %dma_start3A_190 = tpu.memref_slice %arg3[%add3A_184, %dma_start3A_188, %dma_start3A_189] : memref<512x512x128xf32, #tpu.memory_space<hbm>> -> memref<1x256x128xf32, #tpu.memory_space<hbm>>
    %dma_start3A_191 = tpu.memref_squeeze %dma_start3A_190 : memref<1x256x128xf32, #tpu.memory_space<hbm>> -> memref<256x128xf32, #tpu.memory_space<hbm>>
    %dma_start3A_192 = arith.constant 0 : i32
    %dma_start3A_193 = arith.constant 0 : i32
    %dma_start3A_194 = tpu.memref_slice %arg3[%add3A_184, %dma_start3A_192, %dma_start3A_193] : memref<512x512x128xf32, #tpu.memory_space<hbm>> -> memref<1x256x128xf32, #tpu.memory_space<hbm>>
    %dma_start3A_195 = tpu.memref_squeeze %dma_start3A_194 : memref<1x256x128xf32, #tpu.memory_space<hbm>> -> memref<256x128xf32, #tpu.memory_space<hbm>>
    %dma_start3A_196 = arith.constant 4 : i32
    %dma_start3A_197 = arith.constant 0 : i32
    %dma_start3A_198 = tpu.memref_slice %arg5[%dma_start3A_196, %dma_start3A_197] : memref<528x128xf32, #tpu.memory_space<vmem>> -> memref<256x128xf32, #tpu.memory_space<vmem>>
    tpu.enqueue_dma source(%dma_start3A_198 : memref<256x128xf32, #tpu.memory_space<vmem>>) target(%dma_start3A_195 : memref<256x128xf32, #tpu.memory_space<hbm>>) target_semaphore(%arg6 : memref<!tpu.dma_semaphore, #tpu.memory_space<semaphore_mem>>)
    %add3A_199 = arith.constant 12 : i32
    %add3A_200 = arith.addi %mul3A_2, %add3A_199 : i32
    %dma_start3A_201 = arith.constant 3 : i32
    %dma_start3A_202 = arith.constant 0 : i32
    %dma_start3A_203 = tpu.memref_slice %arg5[%dma_start3A_201, %dma_start3A_202] : memref<528x128xf32, #tpu.memory_space<vmem>> -> memref<256x128xf32, #tpu.memory_space<vmem>>
    %dma_start3A_204 = arith.constant 0 : i32
    %dma_start3A_205 = arith.constant 0 : i32
    %dma_start3A_206 = tpu.memref_slice %arg3[%add3A_200, %dma_start3A_204, %dma_start3A_205] : memref<512x512x128xf32, #tpu.memory_space<hbm>> -> memref<1x256x128xf32, #tpu.memory_space<hbm>>
    %dma_start3A_207 = tpu.memref_squeeze %dma_start3A_206 : memref<1x256x128xf32, #tpu.memory_space<hbm>> -> memref<256x128xf32, #tpu.memory_space<hbm>>
    %dma_start3A_208 = arith.constant 0 : i32
    %dma_start3A_209 = arith.constant 0 : i32
    %dma_start3A_210 = tpu.memref_slice %arg3[%add3A_200, %dma_start3A_208, %dma_start3A_209] : memref<512x512x128xf32, #tpu.memory_space<hbm>> -> memref<1x256x128xf32, #tpu.memory_space<hbm>>
    %dma_start3A_211 = tpu.memref_squeeze %dma_start3A_210 : memref<1x256x128xf32, #tpu.memory_space<hbm>> -> memref<256x128xf32, #tpu.memory_space<hbm>>
    %dma_start3A_212 = arith.constant 3 : i32
    %dma_start3A_213 = arith.constant 0 : i32
    %dma_start3A_214 = tpu.memref_slice %arg5[%dma_start3A_212, %dma_start3A_213] : memref<528x128xf32, #tpu.memory_space<vmem>> -> memref<256x128xf32, #tpu.memory_space<vmem>>
    tpu.enqueue_dma source(%dma_start3A_214 : memref<256x128xf32, #tpu.memory_space<vmem>>) target(%dma_start3A_211 : memref<256x128xf32, #tpu.memory_space<hbm>>) target_semaphore(%arg6 : memref<!tpu.dma_semaphore, #tpu.memory_space<semaphore_mem>>)
    %add3A_215 = arith.constant 13 : i32
    %add3A_216 = arith.addi %mul3A_2, %add3A_215 : i32
    %dma_start3A_217 = arith.constant 2 : i32
    %dma_start3A_218 = arith.constant 0 : i32
    %dma_start3A_219 = tpu.memref_slice %arg5[%dma_start3A_217, %dma_start3A_218] : memref<528x128xf32, #tpu.memory_space<vmem>> -> memref<256x128xf32, #tpu.memory_space<vmem>>
    %dma_start3A_220 = arith.constant 0 : i32
    %dma_start3A_221 = arith.constant 0 : i32
    %dma_start3A_222 = tpu.memref_slice %arg3[%add3A_216, %dma_start3A_220, %dma_start3A_221] : memref<512x512x128xf32, #tpu.memory_space<hbm>> -> memref<1x256x128xf32, #tpu.memory_space<hbm>>
    %dma_start3A_223 = tpu.memref_squeeze %dma_start3A_222 : memref<1x256x128xf32, #tpu.memory_space<hbm>> -> memref<256x128xf32, #tpu.memory_space<hbm>>
    %dma_start3A_224 = arith.constant 0 : i32
    %dma_start3A_225 = arith.constant 0 : i32
    %dma_start3A_226 = tpu.memref_slice %arg3[%add3A_216, %dma_start3A_224, %dma_start3A_225] : memref<512x512x128xf32, #tpu.memory_space<hbm>> -> memref<1x256x128xf32, #tpu.memory_space<hbm>>
    %dma_start3A_227 = tpu.memref_squeeze %dma_start3A_226 : memref<1x256x128xf32, #tpu.memory_space<hbm>> -> memref<256x128xf32, #tpu.memory_space<hbm>>
    %dma_start3A_228 = arith.constant 2 : i32
    %dma_start3A_229 = arith.constant 0 : i32
    %dma_start3A_230 = tpu.memref_slice %arg5[%dma_start3A_228, %dma_start3A_229] : memref<528x128xf32, #tpu.memory_space<vmem>> -> memref<256x128xf32, #tpu.memory_space<vmem>>
    tpu.enqueue_dma source(%dma_start3A_230 : memref<256x128xf32, #tpu.memory_space<vmem>>) target(%dma_start3A_227 : memref<256x128xf32, #tpu.memory_space<hbm>>) target_semaphore(%arg6 : memref<!tpu.dma_semaphore, #tpu.memory_space<semaphore_mem>>)
    %add3A_231 = arith.constant 14 : i32
    %add3A_232 = arith.addi %mul3A_2, %add3A_231 : i32
    %dma_start3A_233 = arith.constant 1 : i32
    %dma_start3A_234 = arith.constant 0 : i32
    %dma_start3A_235 = tpu.memref_slice %arg5[%dma_start3A_233, %dma_start3A_234] : memref<528x128xf32, #tpu.memory_space<vmem>> -> memref<256x128xf32, #tpu.memory_space<vmem>>
    %dma_start3A_236 = arith.constant 0 : i32
    %dma_start3A_237 = arith.constant 0 : i32
    %dma_start3A_238 = tpu.memref_slice %arg3[%add3A_232, %dma_start3A_236, %dma_start3A_237] : memref<512x512x128xf32, #tpu.memory_space<hbm>> -> memref<1x256x128xf32, #tpu.memory_space<hbm>>
    %dma_start3A_239 = tpu.memref_squeeze %dma_start3A_238 : memref<1x256x128xf32, #tpu.memory_space<hbm>> -> memref<256x128xf32, #tpu.memory_space<hbm>>
    %dma_start3A_240 = arith.constant 0 : i32
    %dma_start3A_241 = arith.constant 0 : i32
    %dma_start3A_242 = tpu.memref_slice %arg3[%add3A_232, %dma_start3A_240, %dma_start3A_241] : memref<512x512x128xf32, #tpu.memory_space<hbm>> -> memref<1x256x128xf32, #tpu.memory_space<hbm>>
    %dma_start3A_243 = tpu.memref_squeeze %dma_start3A_242 : memref<1x256x128xf32, #tpu.memory_space<hbm>> -> memref<256x128xf32, #tpu.memory_space<hbm>>
    %dma_start3A_244 = arith.constant 1 : i32
    %dma_start3A_245 = arith.constant 0 : i32
    %dma_start3A_246 = tpu.memref_slice %arg5[%dma_start3A_244, %dma_start3A_245] : memref<528x128xf32, #tpu.memory_space<vmem>> -> memref<256x128xf32, #tpu.memory_space<vmem>>
    tpu.enqueue_dma source(%dma_start3A_246 : memref<256x128xf32, #tpu.memory_space<vmem>>) target(%dma_start3A_243 : memref<256x128xf32, #tpu.memory_space<hbm>>) target_semaphore(%arg6 : memref<!tpu.dma_semaphore, #tpu.memory_space<semaphore_mem>>)
    %add3A_247 = arith.constant 15 : i32
    %add3A_248 = arith.addi %mul3A_2, %add3A_247 : i32
    %dma_start3A_249 = arith.constant 0 : i32
    %dma_start3A_250 = arith.constant 0 : i32
    %dma_start3A_251 = tpu.memref_slice %arg5[%dma_start3A_249, %dma_start3A_250] : memref<528x128xf32, #tpu.memory_space<vmem>> -> memref<256x128xf32, #tpu.memory_space<vmem>>
    %dma_start3A_252 = arith.constant 0 : i32
    %dma_start3A_253 = arith.constant 0 : i32
    %dma_start3A_254 = tpu.memref_slice %arg3[%add3A_248, %dma_start3A_252, %dma_start3A_253] : memref<512x512x128xf32, #tpu.memory_space<hbm>> -> memref<1x256x128xf32, #tpu.memory_space<hbm>>
    %dma_start3A_255 = tpu.memref_squeeze %dma_start3A_254 : memref<1x256x128xf32, #tpu.memory_space<hbm>> -> memref<256x128xf32, #tpu.memory_space<hbm>>
    %dma_start3A_256 = arith.constant 0 : i32
    %dma_start3A_257 = arith.constant 0 : i32
    %dma_start3A_258 = tpu.memref_slice %arg3[%add3A_248, %dma_start3A_256, %dma_start3A_257] : memref<512x512x128xf32, #tpu.memory_space<hbm>> -> memref<1x256x128xf32, #tpu.memory_space<hbm>>
    %dma_start3A_259 = tpu.memref_squeeze %dma_start3A_258 : memref<1x256x128xf32, #tpu.memory_space<hbm>> -> memref<256x128xf32, #tpu.memory_space<hbm>>
    %dma_start3A_260 = arith.constant 0 : i32
    %dma_start3A_261 = arith.constant 0 : i32
    %dma_start3A_262 = tpu.memref_slice %arg5[%dma_start3A_260, %dma_start3A_261] : memref<528x128xf32, #tpu.memory_space<vmem>> -> memref<256x128xf32, #tpu.memory_space<vmem>>
    tpu.enqueue_dma source(%dma_start3A_262 : memref<256x128xf32, #tpu.memory_space<vmem>>) target(%dma_start3A_259 : memref<256x128xf32, #tpu.memory_space<hbm>>) target_semaphore(%arg6 : memref<!tpu.dma_semaphore, #tpu.memory_space<semaphore_mem>>)
    %parallel_loop3A_263 = arith.constant 272 : i32
    %parallel_loop3A_264 = arith.constant 528 : i32
    %parallel_loop3A_265 = arith.constant 1 : i32
    scf.for %parallel_loop3A_969 = %parallel_loop3A_263 to %parallel_loop3A_264 step %parallel_loop3A_265  : i32 {
      %parallel_loop3A_970 = arith.addi %sub3A_5, %parallel_loop3A_969 : i32
      %parallel_loop3A_971 = arith.constant 511 : i32
      %parallel_loop3A_972 = arith.subi %parallel_loop3A_971, %parallel_loop3A_970 : i32
      %parallel_loop3A_973 = arith.constant -32 : i32
      %parallel_loop3A_974 = arith.constant 32 : i32
      %parallel_loop3A_975 = arith.maxsi %parallel_loop3A_973, %parallel_loop3A_972 : i32
      %parallel_loop3A_976 = arith.minsi %parallel_loop3A_974, %parallel_loop3A_975 : i32
      %parallel_loop3A_977 = arith.constant 32 : i32
      %parallel_loop3A_978 = arith.addi %parallel_loop3A_976, %parallel_loop3A_977 : i32
      %parallel_loop3A_979 = arith.index_cast %parallel_loop3A_978 : i32 to index
      %parallel_loop3A_980 = arith.constant 0 : index
      %parallel_loop3A_981 = tpu.vector_load %arg4[%parallel_loop3A_979, %parallel_loop3A_980] {strides = array<i32>} : memref<65x128xf32, #tpu.memory_space<vmem>>, vector<1x16xf32>,
      %parallel_loop3A_982 = vector.shape_cast %parallel_loop3A_981 : vector<1x16xf32> to vector<16xf32>
      %parallel_loop3A_983 = arith.index_cast %parallel_loop3A_969 : i32 to index
      %parallel_loop3A_984 = arith.constant 0 : index
      %parallel_loop3A_985 = tpu.vector_load %arg5[%parallel_loop3A_983, %parallel_loop3A_984] {strides = array<i32>} : memref<528x128xf32, #tpu.memory_space<vmem>>, vector<1x16xf32>,
      %parallel_loop3A_986 = vector.shape_cast %parallel_loop3A_985 : vector<1x16xf32> to vector<16xf32>
      %parallel_loop3A_987 = vector.shape_cast %parallel_loop3A_982 : vector<16xf32> to vector<1x16xf32>
      tpu.vector_store %arg5[%parallel_loop3A_983, %parallel_loop3A_984], %parallel_loop3A_987 {strides = array<i32>} : memref<528x128xf32, #tpu.memory_space<vmem>>, vector<1x16xf32>,
      %parallel_loop3A_988 = arith.index_cast %parallel_loop3A_978 : i32 to index
      %parallel_loop3A_989 = arith.constant 16 : index
      %parallel_loop3A_990 = tpu.vector_load %arg4[%parallel_loop3A_988, %parallel_loop3A_989] {strides = array<i32>} : memref<65x128xf32, #tpu.memory_space<vmem>>, vector<1x16xf32>,
      %parallel_loop3A_991 = vector.shape_cast %parallel_loop3A_990 : vector<1x16xf32> to vector<16xf32>
      %parallel_loop3A_992 = arith.index_cast %parallel_loop3A_969 : i32 to index
      %parallel_loop3A_993 = arith.constant 16 : index
      %parallel_loop3A_994 = tpu.vector_load %arg5[%parallel_loop3A_992, %parallel_loop3A_993] {strides = array<i32>} : memref<528x128xf32, #tpu.memory_space<vmem>>, vector<1x16xf32>,
      %parallel_loop3A_995 = vector.shape_cast %parallel_loop3A_994 : vector<1x16xf32> to vector<16xf32>
      %parallel_loop3A_996 = vector.shape_cast %parallel_loop3A_991 : vector<16xf32> to vector<1x16xf32>
      tpu.vector_store %arg5[%parallel_loop3A_992, %parallel_loop3A_993], %parallel_loop3A_996 {strides = array<i32>} : memref<528x128xf32, #tpu.memory_space<vmem>>, vector<1x16xf32>,
      %parallel_loop3A_997 = arith.index_cast %parallel_loop3A_978 : i32 to index
      %parallel_loop3A_998 = arith.constant 32 : index
      %parallel_loop3A_999 = tpu.vector_load %arg4[%parallel_loop3A_997, %parallel_loop3A_998] {strides = array<i32>} : memref<65x128xf32, #tpu.memory_space<vmem>>, vector<1x16xf32>,
      %parallel_loop3A_1000 = vector.shape_cast %parallel_loop3A_999 : vector<1x16xf32> to vector<16xf32>
      %parallel_loop3A_1001 = arith.index_cast %parallel_loop3A_969 : i32 to index
      %parallel_loop3A_1002 = arith.constant 32 : index
      %parallel_loop3A_1003 = tpu.vector_load %arg5[%parallel_loop3A_1001, %parallel_loop3A_1002] {strides = array<i32>} : memref<528x128xf32, #tpu.memory_space<vmem>>, vector<1x16xf32>,
      %parallel_loop3A_1004 = vector.shape_cast %parallel_loop3A_1003 : vector<1x16xf32> to vector<16xf32>
      %parallel_loop3A_1005 = vector.shape_cast %parallel_loop3A_1000 : vector<16xf32> to vector<1x16xf32>
      tpu.vector_store %arg5[%parallel_loop3A_1001, %parallel_loop3A_1002], %parallel_loop3A_1005 {strides = array<i32>} : memref<528x128xf32, #tpu.memory_space<vmem>>, vector<1x16xf32>,
      %parallel_loop3A_1006 = arith.index_cast %parallel_loop3A_978 : i32 to index
      %parallel_loop3A_1007 = arith.constant 48 : index
      %parallel_loop3A_1008 = tpu.vector_load %arg4[%parallel_loop3A_1006, %parallel_loop3A_1007] {strides = array<i32>} : memref<65x128xf32, #tpu.memory_space<vmem>>, vector<1x16xf32>,
      %parallel_loop3A_1009 = vector.shape_cast %parallel_loop3A_1008 : vector<1x16xf32> to vector<16xf32>
      %parallel_loop3A_1010 = arith.index_cast %parallel_loop3A_969 : i32 to index
      %parallel_loop3A_1011 = arith.constant 48 : index
      %parallel_loop3A_1012 = tpu.vector_load %arg5[%parallel_loop3A_1010, %parallel_loop3A_1011] {strides = array<i32>} : memref<528x128xf32, #tpu.memory_space<vmem>>, vector<1x16xf32>,
      %parallel_loop3A_1013 = vector.shape_cast %parallel_loop3A_1012 : vector<1x16xf32> to vector<16xf32>
      %parallel_loop3A_1014 = vector.shape_cast %parallel_loop3A_1009 : vector<16xf32> to vector<1x16xf32>
      tpu.vector_store %arg5[%parallel_loop3A_1010, %parallel_loop3A_1011], %parallel_loop3A_1014 {strides = array<i32>} : memref<528x128xf32, #tpu.memory_space<vmem>>, vector<1x16xf32>,
      %parallel_loop3A_1015 = arith.index_cast %parallel_loop3A_978 : i32 to index
      %parallel_loop3A_1016 = arith.constant 64 : index
      %parallel_loop3A_1017 = tpu.vector_load %arg4[%parallel_loop3A_1015, %parallel_loop3A_1016] {strides = array<i32>} : memref<65x128xf32, #tpu.memory_space<vmem>>, vector<1x16xf32>,
      %parallel_loop3A_1018 = vector.shape_cast %parallel_loop3A_1017 : vector<1x16xf32> to vector<16xf32>
      %parallel_loop3A_1019 = arith.index_cast %parallel_loop3A_969 : i32 to index
      %parallel_loop3A_1020 = arith.constant 64 : index
      %parallel_loop3A_1021 = tpu.vector_load %arg5[%parallel_loop3A_1019, %parallel_loop3A_1020] {strides = array<i32>} : memref<528x128xf32, #tpu.memory_space<vmem>>, vector<1x16xf32>,
      %parallel_loop3A_1022 = vector.shape_cast %parallel_loop3A_1021 : vector<1x16xf32> to vector<16xf32>
      %parallel_loop3A_1023 = vector.shape_cast %parallel_loop3A_1018 : vector<16xf32> to vector<1x16xf32>
      tpu.vector_store %arg5[%parallel_loop3A_1019, %parallel_loop3A_1020], %parallel_loop3A_1023 {strides = array<i32>} : memref<528x128xf32, #tpu.memory_space<vmem>>, vector<1x16xf32>,
      %parallel_loop3A_1024 = arith.index_cast %parallel_loop3A_978 : i32 to index
      %parallel_loop3A_1025 = arith.constant 80 : index
      %parallel_loop3A_1026 = tpu.vector_load %arg4[%parallel_loop3A_1024, %parallel_loop3A_1025] {strides = array<i32>} : memref<65x128xf32, #tpu.memory_space<vmem>>, vector<1x16xf32>,
      %parallel_loop3A_1027 = vector.shape_cast %parallel_loop3A_1026 : vector<1x16xf32> to vector<16xf32>
      %parallel_loop3A_1028 = arith.index_cast %parallel_loop3A_969 : i32 to index
      %parallel_loop3A_1029 = arith.constant 80 : index
      %parallel_loop3A_1030 = tpu.vector_load %arg5[%parallel_loop3A_1028, %parallel_loop3A_1029] {strides = array<i32>} : memref<528x128xf32, #tpu.memory_space<vmem>>, vector<1x16xf32>,
      %parallel_loop3A_1031 = vector.shape_cast %parallel_loop3A_1030 : vector<1x16xf32> to vector<16xf32>
      %parallel_loop3A_1032 = vector.shape_cast %parallel_loop3A_1027 : vector<16xf32> to vector<1x16xf32>
      tpu.vector_store %arg5[%parallel_loop3A_1028, %parallel_loop3A_1029], %parallel_loop3A_1032 {strides = array<i32>} : memref<528x128xf32, #tpu.memory_space<vmem>>, vector<1x16xf32>,
      %parallel_loop3A_1033 = arith.index_cast %parallel_loop3A_978 : i32 to index
      %parallel_loop3A_1034 = arith.constant 96 : index
      %parallel_loop3A_1035 = tpu.vector_load %arg4[%parallel_loop3A_1033, %parallel_loop3A_1034] {strides = array<i32>} : memref<65x128xf32, #tpu.memory_space<vmem>>, vector<1x16xf32>,
      %parallel_loop3A_1036 = vector.shape_cast %parallel_loop3A_1035 : vector<1x16xf32> to vector<16xf32>
      %parallel_loop3A_1037 = arith.index_cast %parallel_loop3A_969 : i32 to index
      %parallel_loop3A_1038 = arith.constant 96 : index
      %parallel_loop3A_1039 = tpu.vector_load %arg5[%parallel_loop3A_1037, %parallel_loop3A_1038] {strides = array<i32>} : memref<528x128xf32, #tpu.memory_space<vmem>>, vector<1x16xf32>,
      %parallel_loop3A_1040 = vector.shape_cast %parallel_loop3A_1039 : vector<1x16xf32> to vector<16xf32>
      %parallel_loop3A_1041 = vector.shape_cast %parallel_loop3A_1036 : vector<16xf32> to vector<1x16xf32>
      tpu.vector_store %arg5[%parallel_loop3A_1037, %parallel_loop3A_1038], %parallel_loop3A_1041 {strides = array<i32>} : memref<528x128xf32, #tpu.memory_space<vmem>>, vector<1x16xf32>,
      %parallel_loop3A_1042 = arith.index_cast %parallel_loop3A_978 : i32 to index
      %parallel_loop3A_1043 = arith.constant 112 : index
      %parallel_loop3A_1044 = tpu.vector_load %arg4[%parallel_loop3A_1042, %parallel_loop3A_1043] {strides = array<i32>} : memref<65x128xf32, #tpu.memory_space<vmem>>, vector<1x16xf32>,
      %parallel_loop3A_1045 = vector.shape_cast %parallel_loop3A_1044 : vector<1x16xf32> to vector<16xf32>
      %parallel_loop3A_1046 = arith.index_cast %parallel_loop3A_969 : i32 to index
      %parallel_loop3A_1047 = arith.constant 112 : index
      %parallel_loop3A_1048 = tpu.vector_load %arg5[%parallel_loop3A_1046, %parallel_loop3A_1047] {strides = array<i32>} : memref<528x128xf32, #tpu.memory_space<vmem>>, vector<1x16xf32>,
      %parallel_loop3A_1049 = vector.shape_cast %parallel_loop3A_1048 : vector<1x16xf32> to vector<16xf32>
      %parallel_loop3A_1050 = vector.shape_cast %parallel_loop3A_1045 : vector<16xf32> to vector<1x16xf32>
      tpu.vector_store %arg5[%parallel_loop3A_1046, %parallel_loop3A_1047], %parallel_loop3A_1050 {strides = array<i32>} : memref<528x128xf32, #tpu.memory_space<vmem>>, vector<1x16xf32>,
    } {sc.loop_unroll_factor = 8 : i64, sc.parallel_access}
    %add3A_266 = arith.constant 0 : i32
    %add3A_267 = arith.addi %mul3A_2, %add3A_266 : i32
    %dma_start3A_268 = arith.constant 271 : i32
    %dma_start3A_269 = arith.constant 0 : i32
    %dma_start3A_270 = tpu.memref_slice %arg5[%dma_start3A_268, %dma_start3A_269] : memref<528x128xf32, #tpu.memory_space<vmem>> -> memref<256x128xf32, #tpu.memory_space<vmem>>
    %dma_start3A_271 = arith.constant 256 : i32
    %dma_start3A_272 = arith.constant 0 : i32
    %dma_start3A_273 = tpu.memref_slice %arg3[%add3A_267, %dma_start3A_271, %dma_start3A_272] : memref<512x512x128xf32, #tpu.memory_space<hbm>> -> memref<1x256x128xf32, #tpu.memory_space<hbm>>
    %dma_start3A_274 = tpu.memref_squeeze %dma_start3A_273 : memref<1x256x128xf32, #tpu.memory_space<hbm>> -> memref<256x128xf32, #tpu.memory_space<hbm>>
    %dma_start3A_275 = arith.constant 256 : i32
    %dma_start3A_276 = arith.constant 0 : i32
    %dma_start3A_277 = tpu.memref_slice %arg3[%add3A_267, %dma_start3A_275, %dma_start3A_276] : memref<512x512x128xf32, #tpu.memory_space<hbm>> -> memref<1x256x128xf32, #tpu.memory_space<hbm>>
    %dma_start3A_278 = tpu.memref_squeeze %dma_start3A_277 : memref<1x256x128xf32, #tpu.memory_space<hbm>> -> memref<256x128xf32, #tpu.memory_space<hbm>>
    %dma_start3A_279 = arith.constant 271 : i32
    %dma_start3A_280 = arith.constant 0 : i32
    %dma_start3A_281 = tpu.memref_slice %arg5[%dma_start3A_279, %dma_start3A_280] : memref<528x128xf32, #tpu.memory_space<vmem>> -> memref<256x128xf32, #tpu.memory_space<vmem>>
    tpu.enqueue_dma source(%dma_start3A_281 : memref<256x128xf32, #tpu.memory_space<vmem>>) target(%dma_start3A_278 : memref<256x128xf32, #tpu.memory_space<hbm>>) target_semaphore(%arg6 : memref<!tpu.dma_semaphore, #tpu.memory_space<semaphore_mem>>)
    %add3A_282 = arith.constant 1 : i32
    %add3A_283 = arith.addi %mul3A_2, %add3A_282 : i32
    %dma_start3A_284 = arith.constant 270 : i32
    %dma_start3A_285 = arith.constant 0 : i32
    %dma_start3A_286 = tpu.memref_slice %arg5[%dma_start3A_284, %dma_start3A_285] : memref<528x128xf32, #tpu.memory_space<vmem>> -> memref<256x128xf32, #tpu.memory_space<vmem>>
    %dma_start3A_287 = arith.constant 256 : i32
    %dma_start3A_288 = arith.constant 0 : i32
    %dma_start3A_289 = tpu.memref_slice %arg3[%add3A_283, %dma_start3A_287, %dma_start3A_288] : memref<512x512x128xf32, #tpu.memory_space<hbm>> -> memref<1x256x128xf32, #tpu.memory_space<hbm>>
    %dma_start3A_290 = tpu.memref_squeeze %dma_start3A_289 : memref<1x256x128xf32, #tpu.memory_space<hbm>> -> memref<256x128xf32, #tpu.memory_space<hbm>>
    %dma_start3A_291 = arith.constant 256 : i32
    %dma_start3A_292 = arith.constant 0 : i32
    %dma_start3A_293 = tpu.memref_slice %arg3[%add3A_283, %dma_start3A_291, %dma_start3A_292] : memref<512x512x128xf32, #tpu.memory_space<hbm>> -> memref<1x256x128xf32, #tpu.memory_space<hbm>>
    %dma_start3A_294 = tpu.memref_squeeze %dma_start3A_293 : memref<1x256x128xf32, #tpu.memory_space<hbm>> -> memref<256x128xf32, #tpu.memory_space<hbm>>
    %dma_start3A_295 = arith.constant 270 : i32
    %dma_start3A_296 = arith.constant 0 : i32
    %dma_start3A_297 = tpu.memref_slice %arg5[%dma_start3A_295, %dma_start3A_296] : memref<528x128xf32, #tpu.memory_space<vmem>> -> memref<256x128xf32, #tpu.memory_space<vmem>>
    tpu.enqueue_dma source(%dma_start3A_297 : memref<256x128xf32, #tpu.memory_space<vmem>>) target(%dma_start3A_294 : memref<256x128xf32, #tpu.memory_space<hbm>>) target_semaphore(%arg6 : memref<!tpu.dma_semaphore, #tpu.memory_space<semaphore_mem>>)
    %add3A_298 = arith.constant 2 : i32
    %add3A_299 = arith.addi %mul3A_2, %add3A_298 : i32
    %dma_start3A_300 = arith.constant 269 : i32
    %dma_start3A_301 = arith.constant 0 : i32
    %dma_start3A_302 = tpu.memref_slice %arg5[%dma_start3A_300, %dma_start3A_301] : memref<528x128xf32, #tpu.memory_space<vmem>> -> memref<256x128xf32, #tpu.memory_space<vmem>>
    %dma_start3A_303 = arith.constant 256 : i32
    %dma_start3A_304 = arith.constant 0 : i32
    %dma_start3A_305 = tpu.memref_slice %arg3[%add3A_299, %dma_start3A_303, %dma_start3A_304] : memref<512x512x128xf32, #tpu.memory_space<hbm>> -> memref<1x256x128xf32, #tpu.memory_space<hbm>>
    %dma_start3A_306 = tpu.memref_squeeze %dma_start3A_305 : memref<1x256x128xf32, #tpu.memory_space<hbm>> -> memref<256x128xf32, #tpu.memory_space<hbm>>
    %dma_start3A_307 = arith.constant 256 : i32
    %dma_start3A_308 = arith.constant 0 : i32
    %dma_start3A_309 = tpu.memref_slice %arg3[%add3A_299, %dma_start3A_307, %dma_start3A_308] : memref<512x512x128xf32, #tpu.memory_space<hbm>> -> memref<1x256x128xf32, #tpu.memory_space<hbm>>
    %dma_start3A_310 = tpu.memref_squeeze %dma_start3A_309 : memref<1x256x128xf32, #tpu.memory_space<hbm>> -> memref<256x128xf32, #tpu.memory_space<hbm>>
    %dma_start3A_311 = arith.constant 269 : i32
    %dma_start3A_312 = arith.constant 0 : i32
    %dma_start3A_313 = tpu.memref_slice %arg5[%dma_start3A_311, %dma_start3A_312] : memref<528x128xf32, #tpu.memory_space<vmem>> -> memref<256x128xf32, #tpu.memory_space<vmem>>
    tpu.enqueue_dma source(%dma_start3A_313 : memref<256x128xf32, #tpu.memory_space<vmem>>) target(%dma_start3A_310 : memref<256x128xf32, #tpu.memory_space<hbm>>) target_semaphore(%arg6 : memref<!tpu.dma_semaphore, #tpu.memory_space<semaphore_mem>>)
    %add3A_314 = arith.constant 3 : i32
    %add3A_315 = arith.addi %mul3A_2, %add3A_314 : i32
    %dma_start3A_316 = arith.constant 268 : i32
    %dma_start3A_317 = arith.constant 0 : i32
    %dma_start3A_318 = tpu.memref_slice %arg5[%dma_start3A_316, %dma_start3A_317] : memref<528x128xf32, #tpu.memory_space<vmem>> -> memref<256x128xf32, #tpu.memory_space<vmem>>
    %dma_start3A_319 = arith.constant 256 : i32
    %dma_start3A_320 = arith.constant 0 : i32
    %dma_start3A_321 = tpu.memref_slice %arg3[%add3A_315, %dma_start3A_319, %dma_start3A_320] : memref<512x512x128xf32, #tpu.memory_space<hbm>> -> memref<1x256x128xf32, #tpu.memory_space<hbm>>
    %dma_start3A_322 = tpu.memref_squeeze %dma_start3A_321 : memref<1x256x128xf32, #tpu.memory_space<hbm>> -> memref<256x128xf32, #tpu.memory_space<hbm>>
    %dma_start3A_323 = arith.constant 256 : i32
    %dma_start3A_324 = arith.constant 0 : i32
    %dma_start3A_325 = tpu.memref_slice %arg3[%add3A_315, %dma_start3A_323, %dma_start3A_324] : memref<512x512x128xf32, #tpu.memory_space<hbm>> -> memref<1x256x128xf32, #tpu.memory_space<hbm>>
    %dma_start3A_326 = tpu.memref_squeeze %dma_start3A_325 : memref<1x256x128xf32, #tpu.memory_space<hbm>> -> memref<256x128xf32, #tpu.memory_space<hbm>>
    %dma_start3A_327 = arith.constant 268 : i32
    %dma_start3A_328 = arith.constant 0 : i32
    %dma_start3A_329 = tpu.memref_slice %arg5[%dma_start3A_327, %dma_start3A_328] : memref<528x128xf32, #tpu.memory_space<vmem>> -> memref<256x128xf32, #tpu.memory_space<vmem>>
    tpu.enqueue_dma source(%dma_start3A_329 : memref<256x128xf32, #tpu.memory_space<vmem>>) target(%dma_start3A_326 : memref<256x128xf32, #tpu.memory_space<hbm>>) target_semaphore(%arg6 : memref<!tpu.dma_semaphore, #tpu.memory_space<semaphore_mem>>)
    %add3A_330 = arith.constant 4 : i32
    %add3A_331 = arith.addi %mul3A_2, %add3A_330 : i32
    %dma_start3A_332 = arith.constant 267 : i32
    %dma_start3A_333 = arith.constant 0 : i32
    %dma_start3A_334 = tpu.memref_slice %arg5[%dma_start3A_332, %dma_start3A_333] : memref<528x128xf32, #tpu.memory_space<vmem>> -> memref<256x128xf32, #tpu.memory_space<vmem>>
    %dma_start3A_335 = arith.constant 256 : i32
    %dma_start3A_336 = arith.constant 0 : i32
    %dma_start3A_337 = tpu.memref_slice %arg3[%add3A_331, %dma_start3A_335, %dma_start3A_336] : memref<512x512x128xf32, #tpu.memory_space<hbm>> -> memref<1x256x128xf32, #tpu.memory_space<hbm>>
    %dma_start3A_338 = tpu.memref_squeeze %dma_start3A_337 : memref<1x256x128xf32, #tpu.memory_space<hbm>> -> memref<256x128xf32, #tpu.memory_space<hbm>>
    %dma_start3A_339 = arith.constant 256 : i32
    %dma_start3A_340 = arith.constant 0 : i32
    %dma_start3A_341 = tpu.memref_slice %arg3[%add3A_331, %dma_start3A_339, %dma_start3A_340] : memref<512x512x128xf32, #tpu.memory_space<hbm>> -> memref<1x256x128xf32, #tpu.memory_space<hbm>>
    %dma_start3A_342 = tpu.memref_squeeze %dma_start3A_341 : memref<1x256x128xf32, #tpu.memory_space<hbm>> -> memref<256x128xf32, #tpu.memory_space<hbm>>
    %dma_start3A_343 = arith.constant 267 : i32
    %dma_start3A_344 = arith.constant 0 : i32
    %dma_start3A_345 = tpu.memref_slice %arg5[%dma_start3A_343, %dma_start3A_344] : memref<528x128xf32, #tpu.memory_space<vmem>> -> memref<256x128xf32, #tpu.memory_space<vmem>>
    tpu.enqueue_dma source(%dma_start3A_345 : memref<256x128xf32, #tpu.memory_space<vmem>>) target(%dma_start3A_342 : memref<256x128xf32, #tpu.memory_space<hbm>>) target_semaphore(%arg6 : memref<!tpu.dma_semaphore, #tpu.memory_space<semaphore_mem>>)
    %add3A_346 = arith.constant 5 : i32
    %add3A_347 = arith.addi %mul3A_2, %add3A_346 : i32
    %dma_start3A_348 = arith.constant 266 : i32
    %dma_start3A_349 = arith.constant 0 : i32
    %dma_start3A_350 = tpu.memref_slice %arg5[%dma_start3A_348, %dma_start3A_349] : memref<528x128xf32, #tpu.memory_space<vmem>> -> memref<256x128xf32, #tpu.memory_space<vmem>>
    %dma_start3A_351 = arith.constant 256 : i32
    %dma_start3A_352 = arith.constant 0 : i32
    %dma_start3A_353 = tpu.memref_slice %arg3[%add3A_347, %dma_start3A_351, %dma_start3A_352] : memref<512x512x128xf32, #tpu.memory_space<hbm>> -> memref<1x256x128xf32, #tpu.memory_space<hbm>>
    %dma_start3A_354 = tpu.memref_squeeze %dma_start3A_353 : memref<1x256x128xf32, #tpu.memory_space<hbm>> -> memref<256x128xf32, #tpu.memory_space<hbm>>
    %dma_start3A_355 = arith.constant 256 : i32
    %dma_start3A_356 = arith.constant 0 : i32
    %dma_start3A_357 = tpu.memref_slice %arg3[%add3A_347, %dma_start3A_355, %dma_start3A_356] : memref<512x512x128xf32, #tpu.memory_space<hbm>> -> memref<1x256x128xf32, #tpu.memory_space<hbm>>
    %dma_start3A_358 = tpu.memref_squeeze %dma_start3A_357 : memref<1x256x128xf32, #tpu.memory_space<hbm>> -> memref<256x128xf32, #tpu.memory_space<hbm>>
    %dma_start3A_359 = arith.constant 266 : i32
    %dma_start3A_360 = arith.constant 0 : i32
    %dma_start3A_361 = tpu.memref_slice %arg5[%dma_start3A_359, %dma_start3A_360] : memref<528x128xf32, #tpu.memory_space<vmem>> -> memref<256x128xf32, #tpu.memory_space<vmem>>
    tpu.enqueue_dma source(%dma_start3A_361 : memref<256x128xf32, #tpu.memory_space<vmem>>) target(%dma_start3A_358 : memref<256x128xf32, #tpu.memory_space<hbm>>) target_semaphore(%arg6 : memref<!tpu.dma_semaphore, #tpu.memory_space<semaphore_mem>>)
    %add3A_362 = arith.constant 6 : i32
    %add3A_363 = arith.addi %mul3A_2, %add3A_362 : i32
    %dma_start3A_364 = arith.constant 265 : i32
    %dma_start3A_365 = arith.constant 0 : i32
    %dma_start3A_366 = tpu.memref_slice %arg5[%dma_start3A_364, %dma_start3A_365] : memref<528x128xf32, #tpu.memory_space<vmem>> -> memref<256x128xf32, #tpu.memory_space<vmem>>
    %dma_start3A_367 = arith.constant 256 : i32
    %dma_start3A_368 = arith.constant 0 : i32
    %dma_start3A_369 = tpu.memref_slice %arg3[%add3A_363, %dma_start3A_367, %dma_start3A_368] : memref<512x512x128xf32, #tpu.memory_space<hbm>> -> memref<1x256x128xf32, #tpu.memory_space<hbm>>
    %dma_start3A_370 = tpu.memref_squeeze %dma_start3A_369 : memref<1x256x128xf32, #tpu.memory_space<hbm>> -> memref<256x128xf32, #tpu.memory_space<hbm>>
    %dma_start3A_371 = arith.constant 256 : i32
    %dma_start3A_372 = arith.constant 0 : i32
    %dma_start3A_373 = tpu.memref_slice %arg3[%add3A_363, %dma_start3A_371, %dma_start3A_372] : memref<512x512x128xf32, #tpu.memory_space<hbm>> -> memref<1x256x128xf32, #tpu.memory_space<hbm>>
    %dma_start3A_374 = tpu.memref_squeeze %dma_start3A_373 : memref<1x256x128xf32, #tpu.memory_space<hbm>> -> memref<256x128xf32, #tpu.memory_space<hbm>>
    %dma_start3A_375 = arith.constant 265 : i32
    %dma_start3A_376 = arith.constant 0 : i32
    %dma_start3A_377 = tpu.memref_slice %arg5[%dma_start3A_375, %dma_start3A_376] : memref<528x128xf32, #tpu.memory_space<vmem>> -> memref<256x128xf32, #tpu.memory_space<vmem>>
    tpu.enqueue_dma source(%dma_start3A_377 : memref<256x128xf32, #tpu.memory_space<vmem>>) target(%dma_start3A_374 : memref<256x128xf32, #tpu.memory_space<hbm>>) target_semaphore(%arg6 : memref<!tpu.dma_semaphore, #tpu.memory_space<semaphore_mem>>)
    %add3A_378 = arith.constant 7 : i32
    %add3A_379 = arith.addi %mul3A_2, %add3A_378 : i32
    %dma_start3A_380 = arith.constant 264 : i32
    %dma_start3A_381 = arith.constant 0 : i32
    %dma_start3A_382 = tpu.memref_slice %arg5[%dma_start3A_380, %dma_start3A_381] : memref<528x128xf32, #tpu.memory_space<vmem>> -> memref<256x128xf32, #tpu.memory_space<vmem>>
    %dma_start3A_383 = arith.constant 256 : i32
    %dma_start3A_384 = arith.constant 0 : i32
    %dma_start3A_385 = tpu.memref_slice %arg3[%add3A_379, %dma_start3A_383, %dma_start3A_384] : memref<512x512x128xf32, #tpu.memory_space<hbm>> -> memref<1x256x128xf32, #tpu.memory_space<hbm>>
    %dma_start3A_386 = tpu.memref_squeeze %dma_start3A_385 : memref<1x256x128xf32, #tpu.memory_space<hbm>> -> memref<256x128xf32, #tpu.memory_space<hbm>>
    %dma_start3A_387 = arith.constant 256 : i32
    %dma_start3A_388 = arith.constant 0 : i32
    %dma_start3A_389 = tpu.memref_slice %arg3[%add3A_379, %dma_start3A_387, %dma_start3A_388] : memref<512x512x128xf32, #tpu.memory_space<hbm>> -> memref<1x256x128xf32, #tpu.memory_space<hbm>>
    %dma_start3A_390 = tpu.memref_squeeze %dma_start3A_389 : memref<1x256x128xf32, #tpu.memory_space<hbm>> -> memref<256x128xf32, #tpu.memory_space<hbm>>
    %dma_start3A_391 = arith.constant 264 : i32
    %dma_start3A_392 = arith.constant 0 : i32
    %dma_start3A_393 = tpu.memref_slice %arg5[%dma_start3A_391, %dma_start3A_392] : memref<528x128xf32, #tpu.memory_space<vmem>> -> memref<256x128xf32, #tpu.memory_space<vmem>>
    tpu.enqueue_dma source(%dma_start3A_393 : memref<256x128xf32, #tpu.memory_space<vmem>>) target(%dma_start3A_390 : memref<256x128xf32, #tpu.memory_space<hbm>>) target_semaphore(%arg6 : memref<!tpu.dma_semaphore, #tpu.memory_space<semaphore_mem>>)
    %add3A_394 = arith.constant 8 : i32
    %add3A_395 = arith.addi %mul3A_2, %add3A_394 : i32
    %dma_start3A_396 = arith.constant 263 : i32
    %dma_start3A_397 = arith.constant 0 : i32
    %dma_start3A_398 = tpu.memref_slice %arg5[%dma_start3A_396, %dma_start3A_397] : memref<528x128xf32, #tpu.memory_space<vmem>> -> memref<256x128xf32, #tpu.memory_space<vmem>>
    %dma_start3A_399 = arith.constant 256 : i32
    %dma_start3A_400 = arith.constant 0 : i32
    %dma_start3A_401 = tpu.memref_slice %arg3[%add3A_395, %dma_start3A_399, %dma_start3A_400] : memref<512x512x128xf32, #tpu.memory_space<hbm>> -> memref<1x256x128xf32, #tpu.memory_space<hbm>>
    %dma_start3A_402 = tpu.memref_squeeze %dma_start3A_401 : memref<1x256x128xf32, #tpu.memory_space<hbm>> -> memref<256x128xf32, #tpu.memory_space<hbm>>
    %dma_start3A_403 = arith.constant 256 : i32
    %dma_start3A_404 = arith.constant 0 : i32
    %dma_start3A_405 = tpu.memref_slice %arg3[%add3A_395, %dma_start3A_403, %dma_start3A_404] : memref<512x512x128xf32, #tpu.memory_space<hbm>> -> memref<1x256x128xf32, #tpu.memory_space<hbm>>
    %dma_start3A_406 = tpu.memref_squeeze %dma_start3A_405 : memref<1x256x128xf32, #tpu.memory_space<hbm>> -> memref<256x128xf32, #tpu.memory_space<hbm>>
    %dma_start3A_407 = arith.constant 263 : i32
    %dma_start3A_408 = arith.constant 0 : i32
    %dma_start3A_409 = tpu.memref_slice %arg5[%dma_start3A_407, %dma_start3A_408] : memref<528x128xf32, #tpu.memory_space<vmem>> -> memref<256x128xf32, #tpu.memory_space<vmem>>
    tpu.enqueue_dma source(%dma_start3A_409 : memref<256x128xf32, #tpu.memory_space<vmem>>) target(%dma_start3A_406 : memref<256x128xf32, #tpu.memory_space<hbm>>) target_semaphore(%arg6 : memref<!tpu.dma_semaphore, #tpu.memory_space<semaphore_mem>>)
    %add3A_410 = arith.constant 9 : i32
    %add3A_411 = arith.addi %mul3A_2, %add3A_410 : i32
    %dma_start3A_412 = arith.constant 262 : i32
    %dma_start3A_413 = arith.constant 0 : i32
    %dma_start3A_414 = tpu.memref_slice %arg5[%dma_start3A_412, %dma_start3A_413] : memref<528x128xf32, #tpu.memory_space<vmem>> -> memref<256x128xf32, #tpu.memory_space<vmem>>
    %dma_start3A_415 = arith.constant 256 : i32
    %dma_start3A_416 = arith.constant 0 : i32
    %dma_start3A_417 = tpu.memref_slice %arg3[%add3A_411, %dma_start3A_415, %dma_start3A_416] : memref<512x512x128xf32, #tpu.memory_space<hbm>> -> memref<1x256x128xf32, #tpu.memory_space<hbm>>
    %dma_start3A_418 = tpu.memref_squeeze %dma_start3A_417 : memref<1x256x128xf32, #tpu.memory_space<hbm>> -> memref<256x128xf32, #tpu.memory_space<hbm>>
    %dma_start3A_419 = arith.constant 256 : i32
    %dma_start3A_420 = arith.constant 0 : i32
    %dma_start3A_421 = tpu.memref_slice %arg3[%add3A_411, %dma_start3A_419, %dma_start3A_420] : memref<512x512x128xf32, #tpu.memory_space<hbm>> -> memref<1x256x128xf32, #tpu.memory_space<hbm>>
    %dma_start3A_422 = tpu.memref_squeeze %dma_start3A_421 : memref<1x256x128xf32, #tpu.memory_space<hbm>> -> memref<256x128xf32, #tpu.memory_space<hbm>>
    %dma_start3A_423 = arith.constant 262 : i32
    %dma_start3A_424 = arith.constant 0 : i32
    %dma_start3A_425 = tpu.memref_slice %arg5[%dma_start3A_423, %dma_start3A_424] : memref<528x128xf32, #tpu.memory_space<vmem>> -> memref<256x128xf32, #tpu.memory_space<vmem>>
    tpu.enqueue_dma source(%dma_start3A_425 : memref<256x128xf32, #tpu.memory_space<vmem>>) target(%dma_start3A_422 : memref<256x128xf32, #tpu.memory_space<hbm>>) target_semaphore(%arg6 : memref<!tpu.dma_semaphore, #tpu.memory_space<semaphore_mem>>)
    %add3A_426 = arith.constant 10 : i32
    %add3A_427 = arith.addi %mul3A_2, %add3A_426 : i32
    %dma_start3A_428 = arith.constant 261 : i32
    %dma_start3A_429 = arith.constant 0 : i32
    %dma_start3A_430 = tpu.memref_slice %arg5[%dma_start3A_428, %dma_start3A_429] : memref<528x128xf32, #tpu.memory_space<vmem>> -> memref<256x128xf32, #tpu.memory_space<vmem>>
    %dma_start3A_431 = arith.constant 256 : i32
    %dma_start3A_432 = arith.constant 0 : i32
    %dma_start3A_433 = tpu.memref_slice %arg3[%add3A_427, %dma_start3A_431, %dma_start3A_432] : memref<512x512x128xf32, #tpu.memory_space<hbm>> -> memref<1x256x128xf32, #tpu.memory_space<hbm>>
    %dma_start3A_434 = tpu.memref_squeeze %dma_start3A_433 : memref<1x256x128xf32, #tpu.memory_space<hbm>> -> memref<256x128xf32, #tpu.memory_space<hbm>>
    %dma_start3A_435 = arith.constant 256 : i32
    %dma_start3A_436 = arith.constant 0 : i32
    %dma_start3A_437 = tpu.memref_slice %arg3[%add3A_427, %dma_start3A_435, %dma_start3A_436] : memref<512x512x128xf32, #tpu.memory_space<hbm>> -> memref<1x256x128xf32, #tpu.memory_space<hbm>>
    %dma_start3A_438 = tpu.memref_squeeze %dma_start3A_437 : memref<1x256x128xf32, #tpu.memory_space<hbm>> -> memref<256x128xf32, #tpu.memory_space<hbm>>
    %dma_start3A_439 = arith.constant 261 : i32
    %dma_start3A_440 = arith.constant 0 : i32
    %dma_start3A_441 = tpu.memref_slice %arg5[%dma_start3A_439, %dma_start3A_440] : memref<528x128xf32, #tpu.memory_space<vmem>> -> memref<256x128xf32, #tpu.memory_space<vmem>>
    tpu.enqueue_dma source(%dma_start3A_441 : memref<256x128xf32, #tpu.memory_space<vmem>>) target(%dma_start3A_438 : memref<256x128xf32, #tpu.memory_space<hbm>>) target_semaphore(%arg6 : memref<!tpu.dma_semaphore, #tpu.memory_space<semaphore_mem>>)
    %add3A_442 = arith.constant 11 : i32
    %add3A_443 = arith.addi %mul3A_2, %add3A_442 : i32
    %dma_start3A_444 = arith.constant 260 : i32
    %dma_start3A_445 = arith.constant 0 : i32
    %dma_start3A_446 = tpu.memref_slice %arg5[%dma_start3A_444, %dma_start3A_445] : memref<528x128xf32, #tpu.memory_space<vmem>> -> memref<256x128xf32, #tpu.memory_space<vmem>>
    %dma_start3A_447 = arith.constant 256 : i32
    %dma_start3A_448 = arith.constant 0 : i32
    %dma_start3A_449 = tpu.memref_slice %arg3[%add3A_443, %dma_start3A_447, %dma_start3A_448] : memref<512x512x128xf32, #tpu.memory_space<hbm>> -> memref<1x256x128xf32, #tpu.memory_space<hbm>>
    %dma_start3A_450 = tpu.memref_squeeze %dma_start3A_449 : memref<1x256x128xf32, #tpu.memory_space<hbm>> -> memref<256x128xf32, #tpu.memory_space<hbm>>
    %dma_start3A_451 = arith.constant 256 : i32
    %dma_start3A_452 = arith.constant 0 : i32
    %dma_start3A_453 = tpu.memref_slice %arg3[%add3A_443, %dma_start3A_451, %dma_start3A_452] : memref<512x512x128xf32, #tpu.memory_space<hbm>> -> memref<1x256x128xf32, #tpu.memory_space<hbm>>
    %dma_start3A_454 = tpu.memref_squeeze %dma_start3A_453 : memref<1x256x128xf32, #tpu.memory_space<hbm>> -> memref<256x128xf32, #tpu.memory_space<hbm>>
    %dma_start3A_455 = arith.constant 260 : i32
    %dma_start3A_456 = arith.constant 0 : i32
    %dma_start3A_457 = tpu.memref_slice %arg5[%dma_start3A_455, %dma_start3A_456] : memref<528x128xf32, #tpu.memory_space<vmem>> -> memref<256x128xf32, #tpu.memory_space<vmem>>
    tpu.enqueue_dma source(%dma_start3A_457 : memref<256x128xf32, #tpu.memory_space<vmem>>) target(%dma_start3A_454 : memref<256x128xf32, #tpu.memory_space<hbm>>) target_semaphore(%arg6 : memref<!tpu.dma_semaphore, #tpu.memory_space<semaphore_mem>>)
    %add3A_458 = arith.constant 12 : i32
    %add3A_459 = arith.addi %mul3A_2, %add3A_458 : i32
    %dma_start3A_460 = arith.constant 259 : i32
    %dma_start3A_461 = arith.constant 0 : i32
    %dma_start3A_462 = tpu.memref_slice %arg5[%dma_start3A_460, %dma_start3A_461] : memref<528x128xf32, #tpu.memory_space<vmem>> -> memref<256x128xf32, #tpu.memory_space<vmem>>
    %dma_start3A_463 = arith.constant 256 : i32
    %dma_start3A_464 = arith.constant 0 : i32
    %dma_start3A_465 = tpu.memref_slice %arg3[%add3A_459, %dma_start3A_463, %dma_start3A_464] : memref<512x512x128xf32, #tpu.memory_space<hbm>> -> memref<1x256x128xf32, #tpu.memory_space<hbm>>
    %dma_start3A_466 = tpu.memref_squeeze %dma_start3A_465 : memref<1x256x128xf32, #tpu.memory_space<hbm>> -> memref<256x128xf32, #tpu.memory_space<hbm>>
    %dma_start3A_467 = arith.constant 256 : i32
    %dma_start3A_468 = arith.constant 0 : i32
    %dma_start3A_469 = tpu.memref_slice %arg3[%add3A_459, %dma_start3A_467, %dma_start3A_468] : memref<512x512x128xf32, #tpu.memory_space<hbm>> -> memref<1x256x128xf32, #tpu.memory_space<hbm>>
    %dma_start3A_470 = tpu.memref_squeeze %dma_start3A_469 : memref<1x256x128xf32, #tpu.memory_space<hbm>> -> memref<256x128xf32, #tpu.memory_space<hbm>>
    %dma_start3A_471 = arith.constant 259 : i32
    %dma_start3A_472 = arith.constant 0 : i32
    %dma_start3A_473 = tpu.memref_slice %arg5[%dma_start3A_471, %dma_start3A_472] : memref<528x128xf32, #tpu.memory_space<vmem>> -> memref<256x128xf32, #tpu.memory_space<vmem>>
    tpu.enqueue_dma source(%dma_start3A_473 : memref<256x128xf32, #tpu.memory_space<vmem>>) target(%dma_start3A_470 : memref<256x128xf32, #tpu.memory_space<hbm>>) target_semaphore(%arg6 : memref<!tpu.dma_semaphore, #tpu.memory_space<semaphore_mem>>)
    %add3A_474 = arith.constant 13 : i32
    %add3A_475 = arith.addi %mul3A_2, %add3A_474 : i32
    %dma_start3A_476 = arith.constant 258 : i32
    %dma_start3A_477 = arith.constant 0 : i32
    %dma_start3A_478 = tpu.memref_slice %arg5[%dma_start3A_476, %dma_start3A_477] : memref<528x128xf32, #tpu.memory_space<vmem>> -> memref<256x128xf32, #tpu.memory_space<vmem>>
    %dma_start3A_479 = arith.constant 256 : i32
    %dma_start3A_480 = arith.constant 0 : i32
    %dma_start3A_481 = tpu.memref_slice %arg3[%add3A_475, %dma_start3A_479, %dma_start3A_480] : memref<512x512x128xf32, #tpu.memory_space<hbm>> -> memref<1x256x128xf32, #tpu.memory_space<hbm>>
    %dma_start3A_482 = tpu.memref_squeeze %dma_start3A_481 : memref<1x256x128xf32, #tpu.memory_space<hbm>> -> memref<256x128xf32, #tpu.memory_space<hbm>>
    %dma_start3A_483 = arith.constant 256 : i32
    %dma_start3A_484 = arith.constant 0 : i32
    %dma_start3A_485 = tpu.memref_slice %arg3[%add3A_475, %dma_start3A_483, %dma_start3A_484] : memref<512x512x128xf32, #tpu.memory_space<hbm>> -> memref<1x256x128xf32, #tpu.memory_space<hbm>>
    %dma_start3A_486 = tpu.memref_squeeze %dma_start3A_485 : memref<1x256x128xf32, #tpu.memory_space<hbm>> -> memref<256x128xf32, #tpu.memory_space<hbm>>
    %dma_start3A_487 = arith.constant 258 : i32
    %dma_start3A_488 = arith.constant 0 : i32
    %dma_start3A_489 = tpu.memref_slice %arg5[%dma_start3A_487, %dma_start3A_488] : memref<528x128xf32, #tpu.memory_space<vmem>> -> memref<256x128xf32, #tpu.memory_space<vmem>>
    tpu.enqueue_dma source(%dma_start3A_489 : memref<256x128xf32, #tpu.memory_space<vmem>>) target(%dma_start3A_486 : memref<256x128xf32, #tpu.memory_space<hbm>>) target_semaphore(%arg6 : memref<!tpu.dma_semaphore, #tpu.memory_space<semaphore_mem>>)
    %add3A_490 = arith.constant 14 : i32
    %add3A_491 = arith.addi %mul3A_2, %add3A_490 : i32
    %dma_start3A_492 = arith.constant 257 : i32
    %dma_start3A_493 = arith.constant 0 : i32
    %dma_start3A_494 = tpu.memref_slice %arg5[%dma_start3A_492, %dma_start3A_493] : memref<528x128xf32, #tpu.memory_space<vmem>> -> memref<256x128xf32, #tpu.memory_space<vmem>>
    %dma_start3A_495 = arith.constant 256 : i32
    %dma_start3A_496 = arith.constant 0 : i32
    %dma_start3A_497 = tpu.memref_slice %arg3[%add3A_491, %dma_start3A_495, %dma_start3A_496] : memref<512x512x128xf32, #tpu.memory_space<hbm>> -> memref<1x256x128xf32, #tpu.memory_space<hbm>>
    %dma_start3A_498 = tpu.memref_squeeze %dma_start3A_497 : memref<1x256x128xf32, #tpu.memory_space<hbm>> -> memref<256x128xf32, #tpu.memory_space<hbm>>
    %dma_start3A_499 = arith.constant 256 : i32
    %dma_start3A_500 = arith.constant 0 : i32
    %dma_start3A_501 = tpu.memref_slice %arg3[%add3A_491, %dma_start3A_499, %dma_start3A_500] : memref<512x512x128xf32, #tpu.memory_space<hbm>> -> memref<1x256x128xf32, #tpu.memory_space<hbm>>
    %dma_start3A_502 = tpu.memref_squeeze %dma_start3A_501 : memref<1x256x128xf32, #tpu.memory_space<hbm>> -> memref<256x128xf32, #tpu.memory_space<hbm>>
    %dma_start3A_503 = arith.constant 257 : i32
    %dma_start3A_504 = arith.constant 0 : i32
    %dma_start3A_505 = tpu.memref_slice %arg5[%dma_start3A_503, %dma_start3A_504] : memref<528x128xf32, #tpu.memory_space<vmem>> -> memref<256x128xf32, #tpu.memory_space<vmem>>
    tpu.enqueue_dma source(%dma_start3A_505 : memref<256x128xf32, #tpu.memory_space<vmem>>) target(%dma_start3A_502 : memref<256x128xf32, #tpu.memory_space<hbm>>) target_semaphore(%arg6 : memref<!tpu.dma_semaphore, #tpu.memory_space<semaphore_mem>>)
    %add3A_506 = arith.constant 15 : i32
    %add3A_507 = arith.addi %mul3A_2, %add3A_506 : i32
    %dma_start3A_508 = arith.constant 256 : i32
    %dma_start3A_509 = arith.constant 0 : i32
    %dma_start3A_510 = tpu.memref_slice %arg5[%dma_start3A_508, %dma_start3A_509] : memref<528x128xf32, #tpu.memory_space<vmem>> -> memref<256x128xf32, #tpu.memory_space<vmem>>
    %dma_start3A_511 = arith.constant 256 : i32
    %dma_start3A_512 = arith.constant 0 : i32
    %dma_start3A_513 = tpu.memref_slice %arg3[%add3A_507, %dma_start3A_511, %dma_start3A_512] : memref<512x512x128xf32, #tpu.memory_space<hbm>> -> memref<1x256x128xf32, #tpu.memory_space<hbm>>
    %dma_start3A_514 = tpu.memref_squeeze %dma_start3A_513 : memref<1x256x128xf32, #tpu.memory_space<hbm>> -> memref<256x128xf32, #tpu.memory_space<hbm>>
    %dma_start3A_515 = arith.constant 256 : i32
    %dma_start3A_516 = arith.constant 0 : i32
    %dma_start3A_517 = tpu.memref_slice %arg3[%add3A_507, %dma_start3A_515, %dma_start3A_516] : memref<512x512x128xf32, #tpu.memory_space<hbm>> -> memref<1x256x128xf32, #tpu.memory_space<hbm>>
    %dma_start3A_518 = tpu.memref_squeeze %dma_start3A_517 : memref<1x256x128xf32, #tpu.memory_space<hbm>> -> memref<256x128xf32, #tpu.memory_space<hbm>>
    %dma_start3A_519 = arith.constant 256 : i32
    %dma_start3A_520 = arith.constant 0 : i32
    %dma_start3A_521 = tpu.memref_slice %arg5[%dma_start3A_519, %dma_start3A_520] : memref<528x128xf32, #tpu.memory_space<vmem>> -> memref<256x128xf32, #tpu.memory_space<vmem>>
    tpu.enqueue_dma source(%dma_start3A_521 : memref<256x128xf32, #tpu.memory_space<vmem>>) target(%dma_start3A_518 : memref<256x128xf32, #tpu.memory_space<hbm>>) target_semaphore(%arg6 : memref<!tpu.dma_semaphore, #tpu.memory_space<semaphore_mem>>)
    %dma_wait3A = arith.constant 15 : i32
    %dma_wait3A_522 = arith.constant 0 : i32
    %dma_wait3A_523 = tpu.memref_slice %arg5[%dma_wait3A, %dma_wait3A_522] : memref<528x128xf32, #tpu.memory_space<vmem>> -> memref<256x128xf32, #tpu.memory_space<vmem>>
    %dma_wait3A_524 = arith.constant 0 : i32
    %dma_wait3A_525 = arith.constant 0 : i32
    %dma_wait3A_526 = tpu.memref_slice %arg3[%add3A_9, %dma_wait3A_524, %dma_wait3A_525] : memref<512x512x128xf32, #tpu.memory_space<hbm>> -> memref<1x256x128xf32, #tpu.memory_space<hbm>>
    %dma_wait3A_527 = tpu.memref_squeeze %dma_wait3A_526 : memref<1x256x128xf32, #tpu.memory_space<hbm>> -> memref<256x128xf32, #tpu.memory_space<hbm>>
    %dma_wait3A_528 = arith.constant 0 : i32
    %dma_wait3A_529 = arith.constant 0 : i32
    %dma_wait3A_530 = tpu.memref_slice %arg3[%add3A_9, %dma_wait3A_528, %dma_wait3A_529] : memref<512x512x128xf32, #tpu.memory_space<hbm>> -> memref<1x256x128xf32, #tpu.memory_space<hbm>>
    %dma_wait3A_531 = tpu.memref_squeeze %dma_wait3A_530 : memref<1x256x128xf32, #tpu.memory_space<hbm>> -> memref<256x128xf32, #tpu.memory_space<hbm>>
    %dma_wait3A_532 = arith.constant 15 : i32
    %dma_wait3A_533 = arith.constant 0 : i32
    %dma_wait3A_534 = tpu.memref_slice %arg5[%dma_wait3A_532, %dma_wait3A_533] : memref<528x128xf32, #tpu.memory_space<vmem>> -> memref<256x128xf32, #tpu.memory_space<vmem>>
    tpu.wait_dma2 semaphore(%arg6 : memref<!tpu.dma_semaphore, #tpu.memory_space<semaphore_mem>>) src(%dma_wait3A_534 : memref<256x128xf32, #tpu.memory_space<vmem>>) dst(%dma_wait3A_531 : memref<256x128xf32, #tpu.memory_space<hbm>>)
    %dma_wait3A_535 = arith.constant 14 : i32
    %dma_wait3A_536 = arith.constant 0 : i32
    %dma_wait3A_537 = tpu.memref_slice %arg5[%dma_wait3A_535, %dma_wait3A_536] : memref<528x128xf32, #tpu.memory_space<vmem>> -> memref<256x128xf32, #tpu.memory_space<vmem>>
    %dma_wait3A_538 = arith.constant 0 : i32
    %dma_wait3A_539 = arith.constant 0 : i32
    %dma_wait3A_540 = tpu.memref_slice %arg3[%add3A_24, %dma_wait3A_538, %dma_wait3A_539] : memref<512x512x128xf32, #tpu.memory_space<hbm>> -> memref<1x256x128xf32, #tpu.memory_space<hbm>>
    %dma_wait3A_541 = tpu.memref_squeeze %dma_wait3A_540 : memref<1x256x128xf32, #tpu.memory_space<hbm>> -> memref<256x128xf32, #tpu.memory_space<hbm>>
    %dma_wait3A_542 = arith.constant 0 : i32
    %dma_wait3A_543 = arith.constant 0 : i32
    %dma_wait3A_544 = tpu.memref_slice %arg3[%add3A_24, %dma_wait3A_542, %dma_wait3A_543] : memref<512x512x128xf32, #tpu.memory_space<hbm>> -> memref<1x256x128xf32, #tpu.memory_space<hbm>>
    %dma_wait3A_545 = tpu.memref_squeeze %dma_wait3A_544 : memref<1x256x128xf32, #tpu.memory_space<hbm>> -> memref<256x128xf32, #tpu.memory_space<hbm>>
    %dma_wait3A_546 = arith.constant 14 : i32
    %dma_wait3A_547 = arith.constant 0 : i32
    %dma_wait3A_548 = tpu.memref_slice %arg5[%dma_wait3A_546, %dma_wait3A_547] : memref<528x128xf32, #tpu.memory_space<vmem>> -> memref<256x128xf32, #tpu.memory_space<vmem>>
    tpu.wait_dma2 semaphore(%arg6 : memref<!tpu.dma_semaphore, #tpu.memory_space<semaphore_mem>>) src(%dma_wait3A_548 : memref<256x128xf32, #tpu.memory_space<vmem>>) dst(%dma_wait3A_545 : memref<256x128xf32, #tpu.memory_space<hbm>>)
    %dma_wait3A_549 = arith.constant 13 : i32
    %dma_wait3A_550 = arith.constant 0 : i32
    %dma_wait3A_551 = tpu.memref_slice %arg5[%dma_wait3A_549, %dma_wait3A_550] : memref<528x128xf32, #tpu.memory_space<vmem>> -> memref<256x128xf32, #tpu.memory_space<vmem>>
    %dma_wait3A_552 = arith.constant 0 : i32
    %dma_wait3A_553 = arith.constant 0 : i32
    %dma_wait3A_554 = tpu.memref_slice %arg3[%add3A_40, %dma_wait3A_552, %dma_wait3A_553] : memref<512x512x128xf32, #tpu.memory_space<hbm>> -> memref<1x256x128xf32, #tpu.memory_space<hbm>>
    %dma_wait3A_555 = tpu.memref_squeeze %dma_wait3A_554 : memref<1x256x128xf32, #tpu.memory_space<hbm>> -> memref<256x128xf32, #tpu.memory_space<hbm>>
    %dma_wait3A_556 = arith.constant 0 : i32
    %dma_wait3A_557 = arith.constant 0 : i32
    %dma_wait3A_558 = tpu.memref_slice %arg3[%add3A_40, %dma_wait3A_556, %dma_wait3A_557] : memref<512x512x128xf32, #tpu.memory_space<hbm>> -> memref<1x256x128xf32, #tpu.memory_space<hbm>>
    %dma_wait3A_559 = tpu.memref_squeeze %dma_wait3A_558 : memref<1x256x128xf32, #tpu.memory_space<hbm>> -> memref<256x128xf32, #tpu.memory_space<hbm>>
    %dma_wait3A_560 = arith.constant 13 : i32
    %dma_wait3A_561 = arith.constant 0 : i32
    %dma_wait3A_562 = tpu.memref_slice %arg5[%dma_wait3A_560, %dma_wait3A_561] : memref<528x128xf32, #tpu.memory_space<vmem>> -> memref<256x128xf32, #tpu.memory_space<vmem>>
    tpu.wait_dma2 semaphore(%arg6 : memref<!tpu.dma_semaphore, #tpu.memory_space<semaphore_mem>>) src(%dma_wait3A_562 : memref<256x128xf32, #tpu.memory_space<vmem>>) dst(%dma_wait3A_559 : memref<256x128xf32, #tpu.memory_space<hbm>>)
    %dma_wait3A_563 = arith.constant 12 : i32
    %dma_wait3A_564 = arith.constant 0 : i32
    %dma_wait3A_565 = tpu.memref_slice %arg5[%dma_wait3A_563, %dma_wait3A_564] : memref<528x128xf32, #tpu.memory_space<vmem>> -> memref<256x128xf32, #tpu.memory_space<vmem>>
    %dma_wait3A_566 = arith.constant 0 : i32
    %dma_wait3A_567 = arith.constant 0 : i32
    %dma_wait3A_568 = tpu.memref_slice %arg3[%add3A_56, %dma_wait3A_566, %dma_wait3A_567] : memref<512x512x128xf32, #tpu.memory_space<hbm>> -> memref<1x256x128xf32, #tpu.memory_space<hbm>>
    %dma_wait3A_569 = tpu.memref_squeeze %dma_wait3A_568 : memref<1x256x128xf32, #tpu.memory_space<hbm>> -> memref<256x128xf32, #tpu.memory_space<hbm>>
    %dma_wait3A_570 = arith.constant 0 : i32
    %dma_wait3A_571 = arith.constant 0 : i32
    %dma_wait3A_572 = tpu.memref_slice %arg3[%add3A_56, %dma_wait3A_570, %dma_wait3A_571] : memref<512x512x128xf32, #tpu.memory_space<hbm>> -> memref<1x256x128xf32, #tpu.memory_space<hbm>>
    %dma_wait3A_573 = tpu.memref_squeeze %dma_wait3A_572 : memref<1x256x128xf32, #tpu.memory_space<hbm>> -> memref<256x128xf32, #tpu.memory_space<hbm>>
    %dma_wait3A_574 = arith.constant 12 : i32
    %dma_wait3A_575 = arith.constant 0 : i32
    %dma_wait3A_576 = tpu.memref_slice %arg5[%dma_wait3A_574, %dma_wait3A_575] : memref<528x128xf32, #tpu.memory_space<vmem>> -> memref<256x128xf32, #tpu.memory_space<vmem>>
    tpu.wait_dma2 semaphore(%arg6 : memref<!tpu.dma_semaphore, #tpu.memory_space<semaphore_mem>>) src(%dma_wait3A_576 : memref<256x128xf32, #tpu.memory_space<vmem>>) dst(%dma_wait3A_573 : memref<256x128xf32, #tpu.memory_space<hbm>>)
    %dma_wait3A_577 = arith.constant 11 : i32
    %dma_wait3A_578 = arith.constant 0 : i32
    %dma_wait3A_579 = tpu.memref_slice %arg5[%dma_wait3A_577, %dma_wait3A_578] : memref<528x128xf32, #tpu.memory_space<vmem>> -> memref<256x128xf32, #tpu.memory_space<vmem>>
    %dma_wait3A_580 = arith.constant 0 : i32
    %dma_wait3A_581 = arith.constant 0 : i32
    %dma_wait3A_582 = tpu.memref_slice %arg3[%add3A_72, %dma_wait3A_580, %dma_wait3A_581] : memref<512x512x128xf32, #tpu.memory_space<hbm>> -> memref<1x256x128xf32, #tpu.memory_space<hbm>>
    %dma_wait3A_583 = tpu.memref_squeeze %dma_wait3A_582 : memref<1x256x128xf32, #tpu.memory_space<hbm>> -> memref<256x128xf32, #tpu.memory_space<hbm>>
    %dma_wait3A_584 = arith.constant 0 : i32
    %dma_wait3A_585 = arith.constant 0 : i32
    %dma_wait3A_586 = tpu.memref_slice %arg3[%add3A_72, %dma_wait3A_584, %dma_wait3A_585] : memref<512x512x128xf32, #tpu.memory_space<hbm>> -> memref<1x256x128xf32, #tpu.memory_space<hbm>>
    %dma_wait3A_587 = tpu.memref_squeeze %dma_wait3A_586 : memref<1x256x128xf32, #tpu.memory_space<hbm>> -> memref<256x128xf32, #tpu.memory_space<hbm>>
    %dma_wait3A_588 = arith.constant 11 : i32
    %dma_wait3A_589 = arith.constant 0 : i32
    %dma_wait3A_590 = tpu.memref_slice %arg5[%dma_wait3A_588, %dma_wait3A_589] : memref<528x128xf32, #tpu.memory_space<vmem>> -> memref<256x128xf32, #tpu.memory_space<vmem>>
    tpu.wait_dma2 semaphore(%arg6 : memref<!tpu.dma_semaphore, #tpu.memory_space<semaphore_mem>>) src(%dma_wait3A_590 : memref<256x128xf32, #tpu.memory_space<vmem>>) dst(%dma_wait3A_587 : memref<256x128xf32, #tpu.memory_space<hbm>>)
    %dma_wait3A_591 = arith.constant 10 : i32
    %dma_wait3A_592 = arith.constant 0 : i32
    %dma_wait3A_593 = tpu.memref_slice %arg5[%dma_wait3A_591, %dma_wait3A_592] : memref<528x128xf32, #tpu.memory_space<vmem>> -> memref<256x128xf32, #tpu.memory_space<vmem>>
    %dma_wait3A_594 = arith.constant 0 : i32
    %dma_wait3A_595 = arith.constant 0 : i32
    %dma_wait3A_596 = tpu.memref_slice %arg3[%add3A_88, %dma_wait3A_594, %dma_wait3A_595] : memref<512x512x128xf32, #tpu.memory_space<hbm>> -> memref<1x256x128xf32, #tpu.memory_space<hbm>>
    %dma_wait3A_597 = tpu.memref_squeeze %dma_wait3A_596 : memref<1x256x128xf32, #tpu.memory_space<hbm>> -> memref<256x128xf32, #tpu.memory_space<hbm>>
    %dma_wait3A_598 = arith.constant 0 : i32
    %dma_wait3A_599 = arith.constant 0 : i32
    %dma_wait3A_600 = tpu.memref_slice %arg3[%add3A_88, %dma_wait3A_598, %dma_wait3A_599] : memref<512x512x128xf32, #tpu.memory_space<hbm>> -> memref<1x256x128xf32, #tpu.memory_space<hbm>>
    %dma_wait3A_601 = tpu.memref_squeeze %dma_wait3A_600 : memref<1x256x128xf32, #tpu.memory_space<hbm>> -> memref<256x128xf32, #tpu.memory_space<hbm>>
    %dma_wait3A_602 = arith.constant 10 : i32
    %dma_wait3A_603 = arith.constant 0 : i32
    %dma_wait3A_604 = tpu.memref_slice %arg5[%dma_wait3A_602, %dma_wait3A_603] : memref<528x128xf32, #tpu.memory_space<vmem>> -> memref<256x128xf32, #tpu.memory_space<vmem>>
    tpu.wait_dma2 semaphore(%arg6 : memref<!tpu.dma_semaphore, #tpu.memory_space<semaphore_mem>>) src(%dma_wait3A_604 : memref<256x128xf32, #tpu.memory_space<vmem>>) dst(%dma_wait3A_601 : memref<256x128xf32, #tpu.memory_space<hbm>>)
    %dma_wait3A_605 = arith.constant 9 : i32
    %dma_wait3A_606 = arith.constant 0 : i32
    %dma_wait3A_607 = tpu.memref_slice %arg5[%dma_wait3A_605, %dma_wait3A_606] : memref<528x128xf32, #tpu.memory_space<vmem>> -> memref<256x128xf32, #tpu.memory_space<vmem>>
    %dma_wait3A_608 = arith.constant 0 : i32
    %dma_wait3A_609 = arith.constant 0 : i32
    %dma_wait3A_610 = tpu.memref_slice %arg3[%add3A_104, %dma_wait3A_608, %dma_wait3A_609] : memref<512x512x128xf32, #tpu.memory_space<hbm>> -> memref<1x256x128xf32, #tpu.memory_space<hbm>>
    %dma_wait3A_611 = tpu.memref_squeeze %dma_wait3A_610 : memref<1x256x128xf32, #tpu.memory_space<hbm>> -> memref<256x128xf32, #tpu.memory_space<hbm>>
    %dma_wait3A_612 = arith.constant 0 : i32
    %dma_wait3A_613 = arith.constant 0 : i32
    %dma_wait3A_614 = tpu.memref_slice %arg3[%add3A_104, %dma_wait3A_612, %dma_wait3A_613] : memref<512x512x128xf32, #tpu.memory_space<hbm>> -> memref<1x256x128xf32, #tpu.memory_space<hbm>>
    %dma_wait3A_615 = tpu.memref_squeeze %dma_wait3A_614 : memref<1x256x128xf32, #tpu.memory_space<hbm>> -> memref<256x128xf32, #tpu.memory_space<hbm>>
    %dma_wait3A_616 = arith.constant 9 : i32
    %dma_wait3A_617 = arith.constant 0 : i32
    %dma_wait3A_618 = tpu.memref_slice %arg5[%dma_wait3A_616, %dma_wait3A_617] : memref<528x128xf32, #tpu.memory_space<vmem>> -> memref<256x128xf32, #tpu.memory_space<vmem>>
    tpu.wait_dma2 semaphore(%arg6 : memref<!tpu.dma_semaphore, #tpu.memory_space<semaphore_mem>>) src(%dma_wait3A_618 : memref<256x128xf32, #tpu.memory_space<vmem>>) dst(%dma_wait3A_615 : memref<256x128xf32, #tpu.memory_space<hbm>>)
    %dma_wait3A_619 = arith.constant 8 : i32
    %dma_wait3A_620 = arith.constant 0 : i32
    %dma_wait3A_621 = tpu.memref_slice %arg5[%dma_wait3A_619, %dma_wait3A_620] : memref<528x128xf32, #tpu.memory_space<vmem>> -> memref<256x128xf32, #tpu.memory_space<vmem>>
    %dma_wait3A_622 = arith.constant 0 : i32
    %dma_wait3A_623 = arith.constant 0 : i32
    %dma_wait3A_624 = tpu.memref_slice %arg3[%add3A_120, %dma_wait3A_622, %dma_wait3A_623] : memref<512x512x128xf32, #tpu.memory_space<hbm>> -> memref<1x256x128xf32, #tpu.memory_space<hbm>>
    %dma_wait3A_625 = tpu.memref_squeeze %dma_wait3A_624 : memref<1x256x128xf32, #tpu.memory_space<hbm>> -> memref<256x128xf32, #tpu.memory_space<hbm>>
    %dma_wait3A_626 = arith.constant 0 : i32
    %dma_wait3A_627 = arith.constant 0 : i32
    %dma_wait3A_628 = tpu.memref_slice %arg3[%add3A_120, %dma_wait3A_626, %dma_wait3A_627] : memref<512x512x128xf32, #tpu.memory_space<hbm>> -> memref<1x256x128xf32, #tpu.memory_space<hbm>>
    %dma_wait3A_629 = tpu.memref_squeeze %dma_wait3A_628 : memref<1x256x128xf32, #tpu.memory_space<hbm>> -> memref<256x128xf32, #tpu.memory_space<hbm>>
    %dma_wait3A_630 = arith.constant 8 : i32
    %dma_wait3A_631 = arith.constant 0 : i32
    %dma_wait3A_632 = tpu.memref_slice %arg5[%dma_wait3A_630, %dma_wait3A_631] : memref<528x128xf32, #tpu.memory_space<vmem>> -> memref<256x128xf32, #tpu.memory_space<vmem>>
    tpu.wait_dma2 semaphore(%arg6 : memref<!tpu.dma_semaphore, #tpu.memory_space<semaphore_mem>>) src(%dma_wait3A_632 : memref<256x128xf32, #tpu.memory_space<vmem>>) dst(%dma_wait3A_629 : memref<256x128xf32, #tpu.memory_space<hbm>>)
    %dma_wait3A_633 = arith.constant 7 : i32
    %dma_wait3A_634 = arith.constant 0 : i32
    %dma_wait3A_635 = tpu.memref_slice %arg5[%dma_wait3A_633, %dma_wait3A_634] : memref<528x128xf32, #tpu.memory_space<vmem>> -> memref<256x128xf32, #tpu.memory_space<vmem>>
    %dma_wait3A_636 = arith.constant 0 : i32
    %dma_wait3A_637 = arith.constant 0 : i32
    %dma_wait3A_638 = tpu.memref_slice %arg3[%add3A_136, %dma_wait3A_636, %dma_wait3A_637] : memref<512x512x128xf32, #tpu.memory_space<hbm>> -> memref<1x256x128xf32, #tpu.memory_space<hbm>>
    %dma_wait3A_639 = tpu.memref_squeeze %dma_wait3A_638 : memref<1x256x128xf32, #tpu.memory_space<hbm>> -> memref<256x128xf32, #tpu.memory_space<hbm>>
    %dma_wait3A_640 = arith.constant 0 : i32
    %dma_wait3A_641 = arith.constant 0 : i32
    %dma_wait3A_642 = tpu.memref_slice %arg3[%add3A_136, %dma_wait3A_640, %dma_wait3A_641] : memref<512x512x128xf32, #tpu.memory_space<hbm>> -> memref<1x256x128xf32, #tpu.memory_space<hbm>>
    %dma_wait3A_643 = tpu.memref_squeeze %dma_wait3A_642 : memref<1x256x128xf32, #tpu.memory_space<hbm>> -> memref<256x128xf32, #tpu.memory_space<hbm>>
    %dma_wait3A_644 = arith.constant 7 : i32
    %dma_wait3A_645 = arith.constant 0 : i32
    %dma_wait3A_646 = tpu.memref_slice %arg5[%dma_wait3A_644, %dma_wait3A_645] : memref<528x128xf32, #tpu.memory_space<vmem>> -> memref<256x128xf32, #tpu.memory_space<vmem>>
    tpu.wait_dma2 semaphore(%arg6 : memref<!tpu.dma_semaphore, #tpu.memory_space<semaphore_mem>>) src(%dma_wait3A_646 : memref<256x128xf32, #tpu.memory_space<vmem>>) dst(%dma_wait3A_643 : memref<256x128xf32, #tpu.memory_space<hbm>>)
    %dma_wait3A_647 = arith.constant 6 : i32
    %dma_wait3A_648 = arith.constant 0 : i32
    %dma_wait3A_649 = tpu.memref_slice %arg5[%dma_wait3A_647, %dma_wait3A_648] : memref<528x128xf32, #tpu.memory_space<vmem>> -> memref<256x128xf32, #tpu.memory_space<vmem>>
    %dma_wait3A_650 = arith.constant 0 : i32
    %dma_wait3A_651 = arith.constant 0 : i32
    %dma_wait3A_652 = tpu.memref_slice %arg3[%add3A_152, %dma_wait3A_650, %dma_wait3A_651] : memref<512x512x128xf32, #tpu.memory_space<hbm>> -> memref<1x256x128xf32, #tpu.memory_space<hbm>>
    %dma_wait3A_653 = tpu.memref_squeeze %dma_wait3A_652 : memref<1x256x128xf32, #tpu.memory_space<hbm>> -> memref<256x128xf32, #tpu.memory_space<hbm>>
    %dma_wait3A_654 = arith.constant 0 : i32
    %dma_wait3A_655 = arith.constant 0 : i32
    %dma_wait3A_656 = tpu.memref_slice %arg3[%add3A_152, %dma_wait3A_654, %dma_wait3A_655] : memref<512x512x128xf32, #tpu.memory_space<hbm>> -> memref<1x256x128xf32, #tpu.memory_space<hbm>>
    %dma_wait3A_657 = tpu.memref_squeeze %dma_wait3A_656 : memref<1x256x128xf32, #tpu.memory_space<hbm>> -> memref<256x128xf32, #tpu.memory_space<hbm>>
    %dma_wait3A_658 = arith.constant 6 : i32
    %dma_wait3A_659 = arith.constant 0 : i32
    %dma_wait3A_660 = tpu.memref_slice %arg5[%dma_wait3A_658, %dma_wait3A_659] : memref<528x128xf32, #tpu.memory_space<vmem>> -> memref<256x128xf32, #tpu.memory_space<vmem>>
    tpu.wait_dma2 semaphore(%arg6 : memref<!tpu.dma_semaphore, #tpu.memory_space<semaphore_mem>>) src(%dma_wait3A_660 : memref<256x128xf32, #tpu.memory_space<vmem>>) dst(%dma_wait3A_657 : memref<256x128xf32, #tpu.memory_space<hbm>>)
    %dma_wait3A_661 = arith.constant 5 : i32
    %dma_wait3A_662 = arith.constant 0 : i32
    %dma_wait3A_663 = tpu.memref_slice %arg5[%dma_wait3A_661, %dma_wait3A_662] : memref<528x128xf32, #tpu.memory_space<vmem>> -> memref<256x128xf32, #tpu.memory_space<vmem>>
    %dma_wait3A_664 = arith.constant 0 : i32
    %dma_wait3A_665 = arith.constant 0 : i32
    %dma_wait3A_666 = tpu.memref_slice %arg3[%add3A_168, %dma_wait3A_664, %dma_wait3A_665] : memref<512x512x128xf32, #tpu.memory_space<hbm>> -> memref<1x256x128xf32, #tpu.memory_space<hbm>>
    %dma_wait3A_667 = tpu.memref_squeeze %dma_wait3A_666 : memref<1x256x128xf32, #tpu.memory_space<hbm>> -> memref<256x128xf32, #tpu.memory_space<hbm>>
    %dma_wait3A_668 = arith.constant 0 : i32
    %dma_wait3A_669 = arith.constant 0 : i32
    %dma_wait3A_670 = tpu.memref_slice %arg3[%add3A_168, %dma_wait3A_668, %dma_wait3A_669] : memref<512x512x128xf32, #tpu.memory_space<hbm>> -> memref<1x256x128xf32, #tpu.memory_space<hbm>>
    %dma_wait3A_671 = tpu.memref_squeeze %dma_wait3A_670 : memref<1x256x128xf32, #tpu.memory_space<hbm>> -> memref<256x128xf32, #tpu.memory_space<hbm>>
    %dma_wait3A_672 = arith.constant 5 : i32
    %dma_wait3A_673 = arith.constant 0 : i32
    %dma_wait3A_674 = tpu.memref_slice %arg5[%dma_wait3A_672, %dma_wait3A_673] : memref<528x128xf32, #tpu.memory_space<vmem>> -> memref<256x128xf32, #tpu.memory_space<vmem>>
    tpu.wait_dma2 semaphore(%arg6 : memref<!tpu.dma_semaphore, #tpu.memory_space<semaphore_mem>>) src(%dma_wait3A_674 : memref<256x128xf32, #tpu.memory_space<vmem>>) dst(%dma_wait3A_671 : memref<256x128xf32, #tpu.memory_space<hbm>>)
    %dma_wait3A_675 = arith.constant 4 : i32
    %dma_wait3A_676 = arith.constant 0 : i32
    %dma_wait3A_677 = tpu.memref_slice %arg5[%dma_wait3A_675, %dma_wait3A_676] : memref<528x128xf32, #tpu.memory_space<vmem>> -> memref<256x128xf32, #tpu.memory_space<vmem>>
    %dma_wait3A_678 = arith.constant 0 : i32
    %dma_wait3A_679 = arith.constant 0 : i32
    %dma_wait3A_680 = tpu.memref_slice %arg3[%add3A_184, %dma_wait3A_678, %dma_wait3A_679] : memref<512x512x128xf32, #tpu.memory_space<hbm>> -> memref<1x256x128xf32, #tpu.memory_space<hbm>>
    %dma_wait3A_681 = tpu.memref_squeeze %dma_wait3A_680 : memref<1x256x128xf32, #tpu.memory_space<hbm>> -> memref<256x128xf32, #tpu.memory_space<hbm>>
    %dma_wait3A_682 = arith.constant 0 : i32
    %dma_wait3A_683 = arith.constant 0 : i32
    %dma_wait3A_684 = tpu.memref_slice %arg3[%add3A_184, %dma_wait3A_682, %dma_wait3A_683] : memref<512x512x128xf32, #tpu.memory_space<hbm>> -> memref<1x256x128xf32, #tpu.memory_space<hbm>>
    %dma_wait3A_685 = tpu.memref_squeeze %dma_wait3A_684 : memref<1x256x128xf32, #tpu.memory_space<hbm>> -> memref<256x128xf32, #tpu.memory_space<hbm>>
    %dma_wait3A_686 = arith.constant 4 : i32
    %dma_wait3A_687 = arith.constant 0 : i32
    %dma_wait3A_688 = tpu.memref_slice %arg5[%dma_wait3A_686, %dma_wait3A_687] : memref<528x128xf32, #tpu.memory_space<vmem>> -> memref<256x128xf32, #tpu.memory_space<vmem>>
    tpu.wait_dma2 semaphore(%arg6 : memref<!tpu.dma_semaphore, #tpu.memory_space<semaphore_mem>>) src(%dma_wait3A_688 : memref<256x128xf32, #tpu.memory_space<vmem>>) dst(%dma_wait3A_685 : memref<256x128xf32, #tpu.memory_space<hbm>>)
    %dma_wait3A_689 = arith.constant 3 : i32
    %dma_wait3A_690 = arith.constant 0 : i32
    %dma_wait3A_691 = tpu.memref_slice %arg5[%dma_wait3A_689, %dma_wait3A_690] : memref<528x128xf32, #tpu.memory_space<vmem>> -> memref<256x128xf32, #tpu.memory_space<vmem>>
    %dma_wait3A_692 = arith.constant 0 : i32
    %dma_wait3A_693 = arith.constant 0 : i32
    %dma_wait3A_694 = tpu.memref_slice %arg3[%add3A_200, %dma_wait3A_692, %dma_wait3A_693] : memref<512x512x128xf32, #tpu.memory_space<hbm>> -> memref<1x256x128xf32, #tpu.memory_space<hbm>>
    %dma_wait3A_695 = tpu.memref_squeeze %dma_wait3A_694 : memref<1x256x128xf32, #tpu.memory_space<hbm>> -> memref<256x128xf32, #tpu.memory_space<hbm>>
    %dma_wait3A_696 = arith.constant 0 : i32
    %dma_wait3A_697 = arith.constant 0 : i32
    %dma_wait3A_698 = tpu.memref_slice %arg3[%add3A_200, %dma_wait3A_696, %dma_wait3A_697] : memref<512x512x128xf32, #tpu.memory_space<hbm>> -> memref<1x256x128xf32, #tpu.memory_space<hbm>>
    %dma_wait3A_699 = tpu.memref_squeeze %dma_wait3A_698 : memref<1x256x128xf32, #tpu.memory_space<hbm>> -> memref<256x128xf32, #tpu.memory_space<hbm>>
    %dma_wait3A_700 = arith.constant 3 : i32
    %dma_wait3A_701 = arith.constant 0 : i32
    %dma_wait3A_702 = tpu.memref_slice %arg5[%dma_wait3A_700, %dma_wait3A_701] : memref<528x128xf32, #tpu.memory_space<vmem>> -> memref<256x128xf32, #tpu.memory_space<vmem>>
    tpu.wait_dma2 semaphore(%arg6 : memref<!tpu.dma_semaphore, #tpu.memory_space<semaphore_mem>>) src(%dma_wait3A_702 : memref<256x128xf32, #tpu.memory_space<vmem>>) dst(%dma_wait3A_699 : memref<256x128xf32, #tpu.memory_space<hbm>>)
    %dma_wait3A_703 = arith.constant 2 : i32
    %dma_wait3A_704 = arith.constant 0 : i32
    %dma_wait3A_705 = tpu.memref_slice %arg5[%dma_wait3A_703, %dma_wait3A_704] : memref<528x128xf32, #tpu.memory_space<vmem>> -> memref<256x128xf32, #tpu.memory_space<vmem>>
    %dma_wait3A_706 = arith.constant 0 : i32
    %dma_wait3A_707 = arith.constant 0 : i32
    %dma_wait3A_708 = tpu.memref_slice %arg3[%add3A_216, %dma_wait3A_706, %dma_wait3A_707] : memref<512x512x128xf32, #tpu.memory_space<hbm>> -> memref<1x256x128xf32, #tpu.memory_space<hbm>>
    %dma_wait3A_709 = tpu.memref_squeeze %dma_wait3A_708 : memref<1x256x128xf32, #tpu.memory_space<hbm>> -> memref<256x128xf32, #tpu.memory_space<hbm>>
    %dma_wait3A_710 = arith.constant 0 : i32
    %dma_wait3A_711 = arith.constant 0 : i32
    %dma_wait3A_712 = tpu.memref_slice %arg3[%add3A_216, %dma_wait3A_710, %dma_wait3A_711] : memref<512x512x128xf32, #tpu.memory_space<hbm>> -> memref<1x256x128xf32, #tpu.memory_space<hbm>>
    %dma_wait3A_713 = tpu.memref_squeeze %dma_wait3A_712 : memref<1x256x128xf32, #tpu.memory_space<hbm>> -> memref<256x128xf32, #tpu.memory_space<hbm>>
    %dma_wait3A_714 = arith.constant 2 : i32
    %dma_wait3A_715 = arith.constant 0 : i32
    %dma_wait3A_716 = tpu.memref_slice %arg5[%dma_wait3A_714, %dma_wait3A_715] : memref<528x128xf32, #tpu.memory_space<vmem>> -> memref<256x128xf32, #tpu.memory_space<vmem>>
    tpu.wait_dma2 semaphore(%arg6 : memref<!tpu.dma_semaphore, #tpu.memory_space<semaphore_mem>>) src(%dma_wait3A_716 : memref<256x128xf32, #tpu.memory_space<vmem>>) dst(%dma_wait3A_713 : memref<256x128xf32, #tpu.memory_space<hbm>>)
    %dma_wait3A_717 = arith.constant 1 : i32
    %dma_wait3A_718 = arith.constant 0 : i32
    %dma_wait3A_719 = tpu.memref_slice %arg5[%dma_wait3A_717, %dma_wait3A_718] : memref<528x128xf32, #tpu.memory_space<vmem>> -> memref<256x128xf32, #tpu.memory_space<vmem>>
    %dma_wait3A_720 = arith.constant 0 : i32
    %dma_wait3A_721 = arith.constant 0 : i32
    %dma_wait3A_722 = tpu.memref_slice %arg3[%add3A_232, %dma_wait3A_720, %dma_wait3A_721] : memref<512x512x128xf32, #tpu.memory_space<hbm>> -> memref<1x256x128xf32, #tpu.memory_space<hbm>>
    %dma_wait3A_723 = tpu.memref_squeeze %dma_wait3A_722 : memref<1x256x128xf32, #tpu.memory_space<hbm>> -> memref<256x128xf32, #tpu.memory_space<hbm>>
    %dma_wait3A_724 = arith.constant 0 : i32
    %dma_wait3A_725 = arith.constant 0 : i32
    %dma_wait3A_726 = tpu.memref_slice %arg3[%add3A_232, %dma_wait3A_724, %dma_wait3A_725] : memref<512x512x128xf32, #tpu.memory_space<hbm>> -> memref<1x256x128xf32, #tpu.memory_space<hbm>>
    %dma_wait3A_727 = tpu.memref_squeeze %dma_wait3A_726 : memref<1x256x128xf32, #tpu.memory_space<hbm>> -> memref<256x128xf32, #tpu.memory_space<hbm>>
    %dma_wait3A_728 = arith.constant 1 : i32
    %dma_wait3A_729 = arith.constant 0 : i32
    %dma_wait3A_730 = tpu.memref_slice %arg5[%dma_wait3A_728, %dma_wait3A_729] : memref<528x128xf32, #tpu.memory_space<vmem>> -> memref<256x128xf32, #tpu.memory_space<vmem>>
    tpu.wait_dma2 semaphore(%arg6 : memref<!tpu.dma_semaphore, #tpu.memory_space<semaphore_mem>>) src(%dma_wait3A_730 : memref<256x128xf32, #tpu.memory_space<vmem>>) dst(%dma_wait3A_727 : memref<256x128xf32, #tpu.memory_space<hbm>>)
    %dma_wait3A_731 = arith.constant 0 : i32
    %dma_wait3A_732 = arith.constant 0 : i32
    %dma_wait3A_733 = tpu.memref_slice %arg5[%dma_wait3A_731, %dma_wait3A_732] : memref<528x128xf32, #tpu.memory_space<vmem>> -> memref<256x128xf32, #tpu.memory_space<vmem>>
    %dma_wait3A_734 = arith.constant 0 : i32
    %dma_wait3A_735 = arith.constant 0 : i32
    %dma_wait3A_736 = tpu.memref_slice %arg3[%add3A_248, %dma_wait3A_734, %dma_wait3A_735] : memref<512x512x128xf32, #tpu.memory_space<hbm>> -> memref<1x256x128xf32, #tpu.memory_space<hbm>>
    %dma_wait3A_737 = tpu.memref_squeeze %dma_wait3A_736 : memref<1x256x128xf32, #tpu.memory_space<hbm>> -> memref<256x128xf32, #tpu.memory_space<hbm>>
    %dma_wait3A_738 = arith.constant 0 : i32
    %dma_wait3A_739 = arith.constant 0 : i32
    %dma_wait3A_740 = tpu.memref_slice %arg3[%add3A_248, %dma_wait3A_738, %dma_wait3A_739] : memref<512x512x128xf32, #tpu.memory_space<hbm>> -> memref<1x256x128xf32, #tpu.memory_space<hbm>>
    %dma_wait3A_741 = tpu.memref_squeeze %dma_wait3A_740 : memref<1x256x128xf32, #tpu.memory_space<hbm>> -> memref<256x128xf32, #tpu.memory_space<hbm>>
    %dma_wait3A_742 = arith.constant 0 : i32
    %dma_wait3A_743 = arith.constant 0 : i32
    %dma_wait3A_744 = tpu.memref_slice %arg5[%dma_wait3A_742, %dma_wait3A_743] : memref<528x128xf32, #tpu.memory_space<vmem>> -> memref<256x128xf32, #tpu.memory_space<vmem>>
    tpu.wait_dma2 semaphore(%arg6 : memref<!tpu.dma_semaphore, #tpu.memory_space<semaphore_mem>>) src(%dma_wait3A_744 : memref<256x128xf32, #tpu.memory_space<vmem>>) dst(%dma_wait3A_741 : memref<256x128xf32, #tpu.memory_space<hbm>>)
    %dma_wait3A_745 = arith.constant 271 : i32
    %dma_wait3A_746 = arith.constant 0 : i32
    %dma_wait3A_747 = tpu.memref_slice %arg5[%dma_wait3A_745, %dma_wait3A_746] : memref<528x128xf32, #tpu.memory_space<vmem>> -> memref<256x128xf32, #tpu.memory_space<vmem>>
    %dma_wait3A_748 = arith.constant 256 : i32
    %dma_wait3A_749 = arith.constant 0 : i32
    %dma_wait3A_750 = tpu.memref_slice %arg3[%add3A_267, %dma_wait3A_748, %dma_wait3A_749] : memref<512x512x128xf32, #tpu.memory_space<hbm>> -> memref<1x256x128xf32, #tpu.memory_space<hbm>>
    %dma_wait3A_751 = tpu.memref_squeeze %dma_wait3A_750 : memref<1x256x128xf32, #tpu.memory_space<hbm>> -> memref<256x128xf32, #tpu.memory_space<hbm>>
    %dma_wait3A_752 = arith.constant 256 : i32
    %dma_wait3A_753 = arith.constant 0 : i32
    %dma_wait3A_754 = tpu.memref_slice %arg3[%add3A_267, %dma_wait3A_752, %dma_wait3A_753] : memref<512x512x128xf32, #tpu.memory_space<hbm>> -> memref<1x256x128xf32, #tpu.memory_space<hbm>>
    %dma_wait3A_755 = tpu.memref_squeeze %dma_wait3A_754 : memref<1x256x128xf32, #tpu.memory_space<hbm>> -> memref<256x128xf32, #tpu.memory_space<hbm>>
    %dma_wait3A_756 = arith.constant 271 : i32
    %dma_wait3A_757 = arith.constant 0 : i32
    %dma_wait3A_758 = tpu.memref_slice %arg5[%dma_wait3A_756, %dma_wait3A_757] : memref<528x128xf32, #tpu.memory_space<vmem>> -> memref<256x128xf32, #tpu.memory_space<vmem>>
    tpu.wait_dma2 semaphore(%arg6 : memref<!tpu.dma_semaphore, #tpu.memory_space<semaphore_mem>>) src(%dma_wait3A_758 : memref<256x128xf32, #tpu.memory_space<vmem>>) dst(%dma_wait3A_755 : memref<256x128xf32, #tpu.memory_space<hbm>>)
    %dma_wait3A_759 = arith.constant 270 : i32
    %dma_wait3A_760 = arith.constant 0 : i32
    %dma_wait3A_761 = tpu.memref_slice %arg5[%dma_wait3A_759, %dma_wait3A_760] : memref<528x128xf32, #tpu.memory_space<vmem>> -> memref<256x128xf32, #tpu.memory_space<vmem>>
    %dma_wait3A_762 = arith.constant 256 : i32
    %dma_wait3A_763 = arith.constant 0 : i32
    %dma_wait3A_764 = tpu.memref_slice %arg3[%add3A_283, %dma_wait3A_762, %dma_wait3A_763] : memref<512x512x128xf32, #tpu.memory_space<hbm>> -> memref<1x256x128xf32, #tpu.memory_space<hbm>>
    %dma_wait3A_765 = tpu.memref_squeeze %dma_wait3A_764 : memref<1x256x128xf32, #tpu.memory_space<hbm>> -> memref<256x128xf32, #tpu.memory_space<hbm>>
    %dma_wait3A_766 = arith.constant 256 : i32
    %dma_wait3A_767 = arith.constant 0 : i32
    %dma_wait3A_768 = tpu.memref_slice %arg3[%add3A_283, %dma_wait3A_766, %dma_wait3A_767] : memref<512x512x128xf32, #tpu.memory_space<hbm>> -> memref<1x256x128xf32, #tpu.memory_space<hbm>>
    %dma_wait3A_769 = tpu.memref_squeeze %dma_wait3A_768 : memref<1x256x128xf32, #tpu.memory_space<hbm>> -> memref<256x128xf32, #tpu.memory_space<hbm>>
    %dma_wait3A_770 = arith.constant 270 : i32
    %dma_wait3A_771 = arith.constant 0 : i32
    %dma_wait3A_772 = tpu.memref_slice %arg5[%dma_wait3A_770, %dma_wait3A_771] : memref<528x128xf32, #tpu.memory_space<vmem>> -> memref<256x128xf32, #tpu.memory_space<vmem>>
    tpu.wait_dma2 semaphore(%arg6 : memref<!tpu.dma_semaphore, #tpu.memory_space<semaphore_mem>>) src(%dma_wait3A_772 : memref<256x128xf32, #tpu.memory_space<vmem>>) dst(%dma_wait3A_769 : memref<256x128xf32, #tpu.memory_space<hbm>>)
    %dma_wait3A_773 = arith.constant 269 : i32
    %dma_wait3A_774 = arith.constant 0 : i32
    %dma_wait3A_775 = tpu.memref_slice %arg5[%dma_wait3A_773, %dma_wait3A_774] : memref<528x128xf32, #tpu.memory_space<vmem>> -> memref<256x128xf32, #tpu.memory_space<vmem>>
    %dma_wait3A_776 = arith.constant 256 : i32
    %dma_wait3A_777 = arith.constant 0 : i32
    %dma_wait3A_778 = tpu.memref_slice %arg3[%add3A_299, %dma_wait3A_776, %dma_wait3A_777] : memref<512x512x128xf32, #tpu.memory_space<hbm>> -> memref<1x256x128xf32, #tpu.memory_space<hbm>>
    %dma_wait3A_779 = tpu.memref_squeeze %dma_wait3A_778 : memref<1x256x128xf32, #tpu.memory_space<hbm>> -> memref<256x128xf32, #tpu.memory_space<hbm>>
    %dma_wait3A_780 = arith.constant 256 : i32
    %dma_wait3A_781 = arith.constant 0 : i32
    %dma_wait3A_782 = tpu.memref_slice %arg3[%add3A_299, %dma_wait3A_780, %dma_wait3A_781] : memref<512x512x128xf32, #tpu.memory_space<hbm>> -> memref<1x256x128xf32, #tpu.memory_space<hbm>>
    %dma_wait3A_783 = tpu.memref_squeeze %dma_wait3A_782 : memref<1x256x128xf32, #tpu.memory_space<hbm>> -> memref<256x128xf32, #tpu.memory_space<hbm>>
    %dma_wait3A_784 = arith.constant 269 : i32
    %dma_wait3A_785 = arith.constant 0 : i32
    %dma_wait3A_786 = tpu.memref_slice %arg5[%dma_wait3A_784, %dma_wait3A_785] : memref<528x128xf32, #tpu.memory_space<vmem>> -> memref<256x128xf32, #tpu.memory_space<vmem>>
    tpu.wait_dma2 semaphore(%arg6 : memref<!tpu.dma_semaphore, #tpu.memory_space<semaphore_mem>>) src(%dma_wait3A_786 : memref<256x128xf32, #tpu.memory_space<vmem>>) dst(%dma_wait3A_783 : memref<256x128xf32, #tpu.memory_space<hbm>>)
    %dma_wait3A_787 = arith.constant 268 : i32
    %dma_wait3A_788 = arith.constant 0 : i32
    %dma_wait3A_789 = tpu.memref_slice %arg5[%dma_wait3A_787, %dma_wait3A_788] : memref<528x128xf32, #tpu.memory_space<vmem>> -> memref<256x128xf32, #tpu.memory_space<vmem>>
    %dma_wait3A_790 = arith.constant 256 : i32
    %dma_wait3A_791 = arith.constant 0 : i32
    %dma_wait3A_792 = tpu.memref_slice %arg3[%add3A_315, %dma_wait3A_790, %dma_wait3A_791] : memref<512x512x128xf32, #tpu.memory_space<hbm>> -> memref<1x256x128xf32, #tpu.memory_space<hbm>>
    %dma_wait3A_793 = tpu.memref_squeeze %dma_wait3A_792 : memref<1x256x128xf32, #tpu.memory_space<hbm>> -> memref<256x128xf32, #tpu.memory_space<hbm>>
    %dma_wait3A_794 = arith.constant 256 : i32
    %dma_wait3A_795 = arith.constant 0 : i32
    %dma_wait3A_796 = tpu.memref_slice %arg3[%add3A_315, %dma_wait3A_794, %dma_wait3A_795] : memref<512x512x128xf32, #tpu.memory_space<hbm>> -> memref<1x256x128xf32, #tpu.memory_space<hbm>>
    %dma_wait3A_797 = tpu.memref_squeeze %dma_wait3A_796 : memref<1x256x128xf32, #tpu.memory_space<hbm>> -> memref<256x128xf32, #tpu.memory_space<hbm>>
    %dma_wait3A_798 = arith.constant 268 : i32
    %dma_wait3A_799 = arith.constant 0 : i32
    %dma_wait3A_800 = tpu.memref_slice %arg5[%dma_wait3A_798, %dma_wait3A_799] : memref<528x128xf32, #tpu.memory_space<vmem>> -> memref<256x128xf32, #tpu.memory_space<vmem>>
    tpu.wait_dma2 semaphore(%arg6 : memref<!tpu.dma_semaphore, #tpu.memory_space<semaphore_mem>>) src(%dma_wait3A_800 : memref<256x128xf32, #tpu.memory_space<vmem>>) dst(%dma_wait3A_797 : memref<256x128xf32, #tpu.memory_space<hbm>>)
    %dma_wait3A_801 = arith.constant 267 : i32
    %dma_wait3A_802 = arith.constant 0 : i32
    %dma_wait3A_803 = tpu.memref_slice %arg5[%dma_wait3A_801, %dma_wait3A_802] : memref<528x128xf32, #tpu.memory_space<vmem>> -> memref<256x128xf32, #tpu.memory_space<vmem>>
    %dma_wait3A_804 = arith.constant 256 : i32
    %dma_wait3A_805 = arith.constant 0 : i32
    %dma_wait3A_806 = tpu.memref_slice %arg3[%add3A_331, %dma_wait3A_804, %dma_wait3A_805] : memref<512x512x128xf32, #tpu.memory_space<hbm>> -> memref<1x256x128xf32, #tpu.memory_space<hbm>>
    %dma_wait3A_807 = tpu.memref_squeeze %dma_wait3A_806 : memref<1x256x128xf32, #tpu.memory_space<hbm>> -> memref<256x128xf32, #tpu.memory_space<hbm>>
    %dma_wait3A_808 = arith.constant 256 : i32
    %dma_wait3A_809 = arith.constant 0 : i32
    %dma_wait3A_810 = tpu.memref_slice %arg3[%add3A_331, %dma_wait3A_808, %dma_wait3A_809] : memref<512x512x128xf32, #tpu.memory_space<hbm>> -> memref<1x256x128xf32, #tpu.memory_space<hbm>>
    %dma_wait3A_811 = tpu.memref_squeeze %dma_wait3A_810 : memref<1x256x128xf32, #tpu.memory_space<hbm>> -> memref<256x128xf32, #tpu.memory_space<hbm>>
    %dma_wait3A_812 = arith.constant 267 : i32
    %dma_wait3A_813 = arith.constant 0 : i32
    %dma_wait3A_814 = tpu.memref_slice %arg5[%dma_wait3A_812, %dma_wait3A_813] : memref<528x128xf32, #tpu.memory_space<vmem>> -> memref<256x128xf32, #tpu.memory_space<vmem>>
    tpu.wait_dma2 semaphore(%arg6 : memref<!tpu.dma_semaphore, #tpu.memory_space<semaphore_mem>>) src(%dma_wait3A_814 : memref<256x128xf32, #tpu.memory_space<vmem>>) dst(%dma_wait3A_811 : memref<256x128xf32, #tpu.memory_space<hbm>>)
    %dma_wait3A_815 = arith.constant 266 : i32
    %dma_wait3A_816 = arith.constant 0 : i32
    %dma_wait3A_817 = tpu.memref_slice %arg5[%dma_wait3A_815, %dma_wait3A_816] : memref<528x128xf32, #tpu.memory_space<vmem>> -> memref<256x128xf32, #tpu.memory_space<vmem>>
    %dma_wait3A_818 = arith.constant 256 : i32
    %dma_wait3A_819 = arith.constant 0 : i32
    %dma_wait3A_820 = tpu.memref_slice %arg3[%add3A_347, %dma_wait3A_818, %dma_wait3A_819] : memref<512x512x128xf32, #tpu.memory_space<hbm>> -> memref<1x256x128xf32, #tpu.memory_space<hbm>>
    %dma_wait3A_821 = tpu.memref_squeeze %dma_wait3A_820 : memref<1x256x128xf32, #tpu.memory_space<hbm>> -> memref<256x128xf32, #tpu.memory_space<hbm>>
    %dma_wait3A_822 = arith.constant 256 : i32
    %dma_wait3A_823 = arith.constant 0 : i32
    %dma_wait3A_824 = tpu.memref_slice %arg3[%add3A_347, %dma_wait3A_822, %dma_wait3A_823] : memref<512x512x128xf32, #tpu.memory_space<hbm>> -> memref<1x256x128xf32, #tpu.memory_space<hbm>>
    %dma_wait3A_825 = tpu.memref_squeeze %dma_wait3A_824 : memref<1x256x128xf32, #tpu.memory_space<hbm>> -> memref<256x128xf32, #tpu.memory_space<hbm>>
    %dma_wait3A_826 = arith.constant 266 : i32
    %dma_wait3A_827 = arith.constant 0 : i32
    %dma_wait3A_828 = tpu.memref_slice %arg5[%dma_wait3A_826, %dma_wait3A_827] : memref<528x128xf32, #tpu.memory_space<vmem>> -> memref<256x128xf32, #tpu.memory_space<vmem>>
    tpu.wait_dma2 semaphore(%arg6 : memref<!tpu.dma_semaphore, #tpu.memory_space<semaphore_mem>>) src(%dma_wait3A_828 : memref<256x128xf32, #tpu.memory_space<vmem>>) dst(%dma_wait3A_825 : memref<256x128xf32, #tpu.memory_space<hbm>>)
    %dma_wait3A_829 = arith.constant 265 : i32
    %dma_wait3A_830 = arith.constant 0 : i32
    %dma_wait3A_831 = tpu.memref_slice %arg5[%dma_wait3A_829, %dma_wait3A_830] : memref<528x128xf32, #tpu.memory_space<vmem>> -> memref<256x128xf32, #tpu.memory_space<vmem>>
    %dma_wait3A_832 = arith.constant 256 : i32
    %dma_wait3A_833 = arith.constant 0 : i32
    %dma_wait3A_834 = tpu.memref_slice %arg3[%add3A_363, %dma_wait3A_832, %dma_wait3A_833] : memref<512x512x128xf32, #tpu.memory_space<hbm>> -> memref<1x256x128xf32, #tpu.memory_space<hbm>>
    %dma_wait3A_835 = tpu.memref_squeeze %dma_wait3A_834 : memref<1x256x128xf32, #tpu.memory_space<hbm>> -> memref<256x128xf32, #tpu.memory_space<hbm>>
    %dma_wait3A_836 = arith.constant 256 : i32
    %dma_wait3A_837 = arith.constant 0 : i32
    %dma_wait3A_838 = tpu.memref_slice %arg3[%add3A_363, %dma_wait3A_836, %dma_wait3A_837] : memref<512x512x128xf32, #tpu.memory_space<hbm>> -> memref<1x256x128xf32, #tpu.memory_space<hbm>>
    %dma_wait3A_839 = tpu.memref_squeeze %dma_wait3A_838 : memref<1x256x128xf32, #tpu.memory_space<hbm>> -> memref<256x128xf32, #tpu.memory_space<hbm>>
    %dma_wait3A_840 = arith.constant 265 : i32
    %dma_wait3A_841 = arith.constant 0 : i32
    %dma_wait3A_842 = tpu.memref_slice %arg5[%dma_wait3A_840, %dma_wait3A_841] : memref<528x128xf32, #tpu.memory_space<vmem>> -> memref<256x128xf32, #tpu.memory_space<vmem>>
    tpu.wait_dma2 semaphore(%arg6 : memref<!tpu.dma_semaphore, #tpu.memory_space<semaphore_mem>>) src(%dma_wait3A_842 : memref<256x128xf32, #tpu.memory_space<vmem>>) dst(%dma_wait3A_839 : memref<256x128xf32, #tpu.memory_space<hbm>>)
    %dma_wait3A_843 = arith.constant 264 : i32
    %dma_wait3A_844 = arith.constant 0 : i32
    %dma_wait3A_845 = tpu.memref_slice %arg5[%dma_wait3A_843, %dma_wait3A_844] : memref<528x128xf32, #tpu.memory_space<vmem>> -> memref<256x128xf32, #tpu.memory_space<vmem>>
    %dma_wait3A_846 = arith.constant 256 : i32
    %dma_wait3A_847 = arith.constant 0 : i32
    %dma_wait3A_848 = tpu.memref_slice %arg3[%add3A_379, %dma_wait3A_846, %dma_wait3A_847] : memref<512x512x128xf32, #tpu.memory_space<hbm>> -> memref<1x256x128xf32, #tpu.memory_space<hbm>>
    %dma_wait3A_849 = tpu.memref_squeeze %dma_wait3A_848 : memref<1x256x128xf32, #tpu.memory_space<hbm>> -> memref<256x128xf32, #tpu.memory_space<hbm>>
    %dma_wait3A_850 = arith.constant 256 : i32
    %dma_wait3A_851 = arith.constant 0 : i32
    %dma_wait3A_852 = tpu.memref_slice %arg3[%add3A_379, %dma_wait3A_850, %dma_wait3A_851] : memref<512x512x128xf32, #tpu.memory_space<hbm>> -> memref<1x256x128xf32, #tpu.memory_space<hbm>>
    %dma_wait3A_853 = tpu.memref_squeeze %dma_wait3A_852 : memref<1x256x128xf32, #tpu.memory_space<hbm>> -> memref<256x128xf32, #tpu.memory_space<hbm>>
    %dma_wait3A_854 = arith.constant 264 : i32
    %dma_wait3A_855 = arith.constant 0 : i32
    %dma_wait3A_856 = tpu.memref_slice %arg5[%dma_wait3A_854, %dma_wait3A_855] : memref<528x128xf32, #tpu.memory_space<vmem>> -> memref<256x128xf32, #tpu.memory_space<vmem>>
    tpu.wait_dma2 semaphore(%arg6 : memref<!tpu.dma_semaphore, #tpu.memory_space<semaphore_mem>>) src(%dma_wait3A_856 : memref<256x128xf32, #tpu.memory_space<vmem>>) dst(%dma_wait3A_853 : memref<256x128xf32, #tpu.memory_space<hbm>>)
    %dma_wait3A_857 = arith.constant 263 : i32
    %dma_wait3A_858 = arith.constant 0 : i32
    %dma_wait3A_859 = tpu.memref_slice %arg5[%dma_wait3A_857, %dma_wait3A_858] : memref<528x128xf32, #tpu.memory_space<vmem>> -> memref<256x128xf32, #tpu.memory_space<vmem>>
    %dma_wait3A_860 = arith.constant 256 : i32
    %dma_wait3A_861 = arith.constant 0 : i32
    %dma_wait3A_862 = tpu.memref_slice %arg3[%add3A_395, %dma_wait3A_860, %dma_wait3A_861] : memref<512x512x128xf32, #tpu.memory_space<hbm>> -> memref<1x256x128xf32, #tpu.memory_space<hbm>>
    %dma_wait3A_863 = tpu.memref_squeeze %dma_wait3A_862 : memref<1x256x128xf32, #tpu.memory_space<hbm>> -> memref<256x128xf32, #tpu.memory_space<hbm>>
    %dma_wait3A_864 = arith.constant 256 : i32
    %dma_wait3A_865 = arith.constant 0 : i32
    %dma_wait3A_866 = tpu.memref_slice %arg3[%add3A_395, %dma_wait3A_864, %dma_wait3A_865] : memref<512x512x128xf32, #tpu.memory_space<hbm>> -> memref<1x256x128xf32, #tpu.memory_space<hbm>>
    %dma_wait3A_867 = tpu.memref_squeeze %dma_wait3A_866 : memref<1x256x128xf32, #tpu.memory_space<hbm>> -> memref<256x128xf32, #tpu.memory_space<hbm>>
    %dma_wait3A_868 = arith.constant 263 : i32
    %dma_wait3A_869 = arith.constant 0 : i32
    %dma_wait3A_870 = tpu.memref_slice %arg5[%dma_wait3A_868, %dma_wait3A_869] : memref<528x128xf32, #tpu.memory_space<vmem>> -> memref<256x128xf32, #tpu.memory_space<vmem>>
    tpu.wait_dma2 semaphore(%arg6 : memref<!tpu.dma_semaphore, #tpu.memory_space<semaphore_mem>>) src(%dma_wait3A_870 : memref<256x128xf32, #tpu.memory_space<vmem>>) dst(%dma_wait3A_867 : memref<256x128xf32, #tpu.memory_space<hbm>>)
    %dma_wait3A_871 = arith.constant 262 : i32
    %dma_wait3A_872 = arith.constant 0 : i32
    %dma_wait3A_873 = tpu.memref_slice %arg5[%dma_wait3A_871, %dma_wait3A_872] : memref<528x128xf32, #tpu.memory_space<vmem>> -> memref<256x128xf32, #tpu.memory_space<vmem>>
    %dma_wait3A_874 = arith.constant 256 : i32
    %dma_wait3A_875 = arith.constant 0 : i32
    %dma_wait3A_876 = tpu.memref_slice %arg3[%add3A_411, %dma_wait3A_874, %dma_wait3A_875] : memref<512x512x128xf32, #tpu.memory_space<hbm>> -> memref<1x256x128xf32, #tpu.memory_space<hbm>>
    %dma_wait3A_877 = tpu.memref_squeeze %dma_wait3A_876 : memref<1x256x128xf32, #tpu.memory_space<hbm>> -> memref<256x128xf32, #tpu.memory_space<hbm>>
    %dma_wait3A_878 = arith.constant 256 : i32
    %dma_wait3A_879 = arith.constant 0 : i32
    %dma_wait3A_880 = tpu.memref_slice %arg3[%add3A_411, %dma_wait3A_878, %dma_wait3A_879] : memref<512x512x128xf32, #tpu.memory_space<hbm>> -> memref<1x256x128xf32, #tpu.memory_space<hbm>>
    %dma_wait3A_881 = tpu.memref_squeeze %dma_wait3A_880 : memref<1x256x128xf32, #tpu.memory_space<hbm>> -> memref<256x128xf32, #tpu.memory_space<hbm>>
    %dma_wait3A_882 = arith.constant 262 : i32
    %dma_wait3A_883 = arith.constant 0 : i32
    %dma_wait3A_884 = tpu.memref_slice %arg5[%dma_wait3A_882, %dma_wait3A_883] : memref<528x128xf32, #tpu.memory_space<vmem>> -> memref<256x128xf32, #tpu.memory_space<vmem>>
    tpu.wait_dma2 semaphore(%arg6 : memref<!tpu.dma_semaphore, #tpu.memory_space<semaphore_mem>>) src(%dma_wait3A_884 : memref<256x128xf32, #tpu.memory_space<vmem>>) dst(%dma_wait3A_881 : memref<256x128xf32, #tpu.memory_space<hbm>>)
    %dma_wait3A_885 = arith.constant 261 : i32
    %dma_wait3A_886 = arith.constant 0 : i32
    %dma_wait3A_887 = tpu.memref_slice %arg5[%dma_wait3A_885, %dma_wait3A_886] : memref<528x128xf32, #tpu.memory_space<vmem>> -> memref<256x128xf32, #tpu.memory_space<vmem>>
    %dma_wait3A_888 = arith.constant 256 : i32
    %dma_wait3A_889 = arith.constant 0 : i32
    %dma_wait3A_890 = tpu.memref_slice %arg3[%add3A_427, %dma_wait3A_888, %dma_wait3A_889] : memref<512x512x128xf32, #tpu.memory_space<hbm>> -> memref<1x256x128xf32, #tpu.memory_space<hbm>>
    %dma_wait3A_891 = tpu.memref_squeeze %dma_wait3A_890 : memref<1x256x128xf32, #tpu.memory_space<hbm>> -> memref<256x128xf32, #tpu.memory_space<hbm>>
    %dma_wait3A_892 = arith.constant 256 : i32
    %dma_wait3A_893 = arith.constant 0 : i32
    %dma_wait3A_894 = tpu.memref_slice %arg3[%add3A_427, %dma_wait3A_892, %dma_wait3A_893] : memref<512x512x128xf32, #tpu.memory_space<hbm>> -> memref<1x256x128xf32, #tpu.memory_space<hbm>>
    %dma_wait3A_895 = tpu.memref_squeeze %dma_wait3A_894 : memref<1x256x128xf32, #tpu.memory_space<hbm>> -> memref<256x128xf32, #tpu.memory_space<hbm>>
    %dma_wait3A_896 = arith.constant 261 : i32
    %dma_wait3A_897 = arith.constant 0 : i32
    %dma_wait3A_898 = tpu.memref_slice %arg5[%dma_wait3A_896, %dma_wait3A_897] : memref<528x128xf32, #tpu.memory_space<vmem>> -> memref<256x128xf32, #tpu.memory_space<vmem>>
    tpu.wait_dma2 semaphore(%arg6 : memref<!tpu.dma_semaphore, #tpu.memory_space<semaphore_mem>>) src(%dma_wait3A_898 : memref<256x128xf32, #tpu.memory_space<vmem>>) dst(%dma_wait3A_895 : memref<256x128xf32, #tpu.memory_space<hbm>>)
    %dma_wait3A_899 = arith.constant 260 : i32
    %dma_wait3A_900 = arith.constant 0 : i32
    %dma_wait3A_901 = tpu.memref_slice %arg5[%dma_wait3A_899, %dma_wait3A_900] : memref<528x128xf32, #tpu.memory_space<vmem>> -> memref<256x128xf32, #tpu.memory_space<vmem>>
    %dma_wait3A_902 = arith.constant 256 : i32
    %dma_wait3A_903 = arith.constant 0 : i32
    %dma_wait3A_904 = tpu.memref_slice %arg3[%add3A_443, %dma_wait3A_902, %dma_wait3A_903] : memref<512x512x128xf32, #tpu.memory_space<hbm>> -> memref<1x256x128xf32, #tpu.memory_space<hbm>>
    %dma_wait3A_905 = tpu.memref_squeeze %dma_wait3A_904 : memref<1x256x128xf32, #tpu.memory_space<hbm>> -> memref<256x128xf32, #tpu.memory_space<hbm>>
    %dma_wait3A_906 = arith.constant 256 : i32
    %dma_wait3A_907 = arith.constant 0 : i32
    %dma_wait3A_908 = tpu.memref_slice %arg3[%add3A_443, %dma_wait3A_906, %dma_wait3A_907] : memref<512x512x128xf32, #tpu.memory_space<hbm>> -> memref<1x256x128xf32, #tpu.memory_space<hbm>>
    %dma_wait3A_909 = tpu.memref_squeeze %dma_wait3A_908 : memref<1x256x128xf32, #tpu.memory_space<hbm>> -> memref<256x128xf32, #tpu.memory_space<hbm>>
    %dma_wait3A_910 = arith.constant 260 : i32
    %dma_wait3A_911 = arith.constant 0 : i32
    %dma_wait3A_912 = tpu.memref_slice %arg5[%dma_wait3A_910, %dma_wait3A_911] : memref<528x128xf32, #tpu.memory_space<vmem>> -> memref<256x128xf32, #tpu.memory_space<vmem>>
    tpu.wait_dma2 semaphore(%arg6 : memref<!tpu.dma_semaphore, #tpu.memory_space<semaphore_mem>>) src(%dma_wait3A_912 : memref<256x128xf32, #tpu.memory_space<vmem>>) dst(%dma_wait3A_909 : memref<256x128xf32, #tpu.memory_space<hbm>>)
    %dma_wait3A_913 = arith.constant 259 : i32
    %dma_wait3A_914 = arith.constant 0 : i32
    %dma_wait3A_915 = tpu.memref_slice %arg5[%dma_wait3A_913, %dma_wait3A_914] : memref<528x128xf32, #tpu.memory_space<vmem>> -> memref<256x128xf32, #tpu.memory_space<vmem>>
    %dma_wait3A_916 = arith.constant 256 : i32
    %dma_wait3A_917 = arith.constant 0 : i32
    %dma_wait3A_918 = tpu.memref_slice %arg3[%add3A_459, %dma_wait3A_916, %dma_wait3A_917] : memref<512x512x128xf32, #tpu.memory_space<hbm>> -> memref<1x256x128xf32, #tpu.memory_space<hbm>>
    %dma_wait3A_919 = tpu.memref_squeeze %dma_wait3A_918 : memref<1x256x128xf32, #tpu.memory_space<hbm>> -> memref<256x128xf32, #tpu.memory_space<hbm>>
    %dma_wait3A_920 = arith.constant 256 : i32
    %dma_wait3A_921 = arith.constant 0 : i32
    %dma_wait3A_922 = tpu.memref_slice %arg3[%add3A_459, %dma_wait3A_920, %dma_wait3A_921] : memref<512x512x128xf32, #tpu.memory_space<hbm>> -> memref<1x256x128xf32, #tpu.memory_space<hbm>>
    %dma_wait3A_923 = tpu.memref_squeeze %dma_wait3A_922 : memref<1x256x128xf32, #tpu.memory_space<hbm>> -> memref<256x128xf32, #tpu.memory_space<hbm>>
    %dma_wait3A_924 = arith.constant 259 : i32
    %dma_wait3A_925 = arith.constant 0 : i32
    %dma_wait3A_926 = tpu.memref_slice %arg5[%dma_wait3A_924, %dma_wait3A_925] : memref<528x128xf32, #tpu.memory_space<vmem>> -> memref<256x128xf32, #tpu.memory_space<vmem>>
    tpu.wait_dma2 semaphore(%arg6 : memref<!tpu.dma_semaphore, #tpu.memory_space<semaphore_mem>>) src(%dma_wait3A_926 : memref<256x128xf32, #tpu.memory_space<vmem>>) dst(%dma_wait3A_923 : memref<256x128xf32, #tpu.memory_space<hbm>>)
    %dma_wait3A_927 = arith.constant 258 : i32
    %dma_wait3A_928 = arith.constant 0 : i32
    %dma_wait3A_929 = tpu.memref_slice %arg5[%dma_wait3A_927, %dma_wait3A_928] : memref<528x128xf32, #tpu.memory_space<vmem>> -> memref<256x128xf32, #tpu.memory_space<vmem>>
    %dma_wait3A_930 = arith.constant 256 : i32
    %dma_wait3A_931 = arith.constant 0 : i32
    %dma_wait3A_932 = tpu.memref_slice %arg3[%add3A_475, %dma_wait3A_930, %dma_wait3A_931] : memref<512x512x128xf32, #tpu.memory_space<hbm>> -> memref<1x256x128xf32, #tpu.memory_space<hbm>>
    %dma_wait3A_933 = tpu.memref_squeeze %dma_wait3A_932 : memref<1x256x128xf32, #tpu.memory_space<hbm>> -> memref<256x128xf32, #tpu.memory_space<hbm>>
    %dma_wait3A_934 = arith.constant 256 : i32
    %dma_wait3A_935 = arith.constant 0 : i32
    %dma_wait3A_936 = tpu.memref_slice %arg3[%add3A_475, %dma_wait3A_934, %dma_wait3A_935] : memref<512x512x128xf32, #tpu.memory_space<hbm>> -> memref<1x256x128xf32, #tpu.memory_space<hbm>>
    %dma_wait3A_937 = tpu.memref_squeeze %dma_wait3A_936 : memref<1x256x128xf32, #tpu.memory_space<hbm>> -> memref<256x128xf32, #tpu.memory_space<hbm>>
    %dma_wait3A_938 = arith.constant 258 : i32
    %dma_wait3A_939 = arith.constant 0 : i32
    %dma_wait3A_940 = tpu.memref_slice %arg5[%dma_wait3A_938, %dma_wait3A_939] : memref<528x128xf32, #tpu.memory_space<vmem>> -> memref<256x128xf32, #tpu.memory_space<vmem>>
    tpu.wait_dma2 semaphore(%arg6 : memref<!tpu.dma_semaphore, #tpu.memory_space<semaphore_mem>>) src(%dma_wait3A_940 : memref<256x128xf32, #tpu.memory_space<vmem>>) dst(%dma_wait3A_937 : memref<256x128xf32, #tpu.memory_space<hbm>>)
    %dma_wait3A_941 = arith.constant 257 : i32
    %dma_wait3A_942 = arith.constant 0 : i32
    %dma_wait3A_943 = tpu.memref_slice %arg5[%dma_wait3A_941, %dma_wait3A_942] : memref<528x128xf32, #tpu.memory_space<vmem>> -> memref<256x128xf32, #tpu.memory_space<vmem>>
    %dma_wait3A_944 = arith.constant 256 : i32
    %dma_wait3A_945 = arith.constant 0 : i32
    %dma_wait3A_946 = tpu.memref_slice %arg3[%add3A_491, %dma_wait3A_944, %dma_wait3A_945] : memref<512x512x128xf32, #tpu.memory_space<hbm>> -> memref<1x256x128xf32, #tpu.memory_space<hbm>>
    %dma_wait3A_947 = tpu.memref_squeeze %dma_wait3A_946 : memref<1x256x128xf32, #tpu.memory_space<hbm>> -> memref<256x128xf32, #tpu.memory_space<hbm>>
    %dma_wait3A_948 = arith.constant 256 : i32
    %dma_wait3A_949 = arith.constant 0 : i32
    %dma_wait3A_950 = tpu.memref_slice %arg3[%add3A_491, %dma_wait3A_948, %dma_wait3A_949] : memref<512x512x128xf32, #tpu.memory_space<hbm>> -> memref<1x256x128xf32, #tpu.memory_space<hbm>>
    %dma_wait3A_951 = tpu.memref_squeeze %dma_wait3A_950 : memref<1x256x128xf32, #tpu.memory_space<hbm>> -> memref<256x128xf32, #tpu.memory_space<hbm>>
    %dma_wait3A_952 = arith.constant 257 : i32
    %dma_wait3A_953 = arith.constant 0 : i32
    %dma_wait3A_954 = tpu.memref_slice %arg5[%dma_wait3A_952, %dma_wait3A_953] : memref<528x128xf32, #tpu.memory_space<vmem>> -> memref<256x128xf32, #tpu.memory_space<vmem>>
    tpu.wait_dma2 semaphore(%arg6 : memref<!tpu.dma_semaphore, #tpu.memory_space<semaphore_mem>>) src(%dma_wait3A_954 : memref<256x128xf32, #tpu.memory_space<vmem>>) dst(%dma_wait3A_951 : memref<256x128xf32, #tpu.memory_space<hbm>>)
    %dma_wait3A_955 = arith.constant 256 : i32
    %dma_wait3A_956 = arith.constant 0 : i32
    %dma_wait3A_957 = tpu.memref_slice %arg5[%dma_wait3A_955, %dma_wait3A_956] : memref<528x128xf32, #tpu.memory_space<vmem>> -> memref<256x128xf32, #tpu.memory_space<vmem>>
    %dma_wait3A_958 = arith.constant 256 : i32
    %dma_wait3A_959 = arith.constant 0 : i32
    %dma_wait3A_960 = tpu.memref_slice %arg3[%add3A_507, %dma_wait3A_958, %dma_wait3A_959] : memref<512x512x128xf32, #tpu.memory_space<hbm>> -> memref<1x256x128xf32, #tpu.memory_space<hbm>>
    %dma_wait3A_961 = tpu.memref_squeeze %dma_wait3A_960 : memref<1x256x128xf32, #tpu.memory_space<hbm>> -> memref<256x128xf32, #tpu.memory_space<hbm>>
    %dma_wait3A_962 = arith.constant 256 : i32
    %dma_wait3A_963 = arith.constant 0 : i32
    %dma_wait3A_964 = tpu.memref_slice %arg3[%add3A_507, %dma_wait3A_962, %dma_wait3A_963] : memref<512x512x128xf32, #tpu.memory_space<hbm>> -> memref<1x256x128xf32, #tpu.memory_space<hbm>>
    %dma_wait3A_965 = tpu.memref_squeeze %dma_wait3A_964 : memref<1x256x128xf32, #tpu.memory_space<hbm>> -> memref<256x128xf32, #tpu.memory_space<hbm>>
    %dma_wait3A_966 = arith.constant 256 : i32
    %dma_wait3A_967 = arith.constant 0 : i32
    %dma_wait3A_968 = tpu.memref_slice %arg5[%dma_wait3A_966, %dma_wait3A_967] : memref<528x128xf32, #tpu.memory_space<vmem>> -> memref<256x128xf32, #tpu.memory_space<vmem>>
    tpu.wait_dma2 semaphore(%arg6 : memref<!tpu.dma_semaphore, #tpu.memory_space<semaphore_mem>>) src(%dma_wait3A_968 : memref<256x128xf32, #tpu.memory_space<vmem>>) dst(%dma_wait3A_965 : memref<256x128xf32, #tpu.memory_space<hbm>>)
    return
  }
}

</mosaic_0001>

<sc_bundles>
// kernel: kernel.3.cloned.1.call-start
scs
__scs_entry_jumppad:
0x0: {  	(pc) =	sbr.rel $0x88, $3  }
0x1: {  	(tag) =	ssettag $0x0;
	lr =	simm.s32 $0x1  }
0x2: {  	[smem:$0x3FA0] =	sst lr;
	_ =	strace $0xD0000000  }
0x3: {  	_ = 	snop  }
0x4: {  	_ = 	snop  }
0x5: {  	_ = 	snop  }
0x6: {  	_ = 	snop  }
0x7: {  	_ = 	snop  }
__scs_overlays_trampoline_lowered:
0x8: {  	[smem:$0x3FAF] =	sst s0  }
0x9: {  	[smem:$0x3FB0] =	sst s1  }
0xa: {  	[smem:$0x3FB1] =	sst s2  }
0xb: {  	[smem:$0x3FB2] =	sst s3  }
0xc: {  	[smem:$0x3FB3] =	sst s4  }
0xd: {  	[smem:$0x3FB4] =	sst s5  }
0xe: {  	[smem:$0x3FB5] =	sst s6  }
0xf: {  	[smem:$0x3FB6] =	sst s7  }
0x10: {  	[smem:$0x3FB7] =	sst s8  }
0x11: {  	[smem:$0x3FB8] =	sst s9;
	s0 =	simm.s32 @!p0 $0x0  }
0x12: {  	s1 =	sld [smem:$0x3F9E];
	s0 =	simm.s32 @p0 $0x1  }
0x13: {  	[smem:$0x3FB9] =	sst s0;
	s0 =	simm.s32 @!p1 $0x0  }
0x14: {  	s2 =	sld [smem:$0x3F9D];
	s0 =	simm.s32 @p1 $0x1  }
0x15: {  	[smem:$0x3FBA] =	sst s0;
	s0 =	simm.s32 @!p2 $0x0  }
0x16: {  	s3 =	sld [smem:$0x3FDB];
	s0 =	simm.s32 @p2 $0x1  }
0x17: {  	s4 =	simm.s32 $0x1BF5;
	[smem:$0x3FBC] =	sst s0  }
0x18: {  	s0 =	sld [smem:$0x3F9F];
	_ =	swait.ge [sflag:s4], $0x0  }
0x19: {  	s7 =	sld [smem:$0x3FA0]  }
0x1a: {  	s8 =	sadd.s32 $0xFFFFE003, lr  }
0x1b: {  	s9 =	sadd.s32 $0xFFFFFEF7, lr;
	s5 =	simm.s32 $0xFFFFFFFF;
	p2 =	slt.u32 s8, $0xFFFFF086  }
0x1c: {  	p1 =	slt.u32 s9, $0xF7A;
	s5 =	simm.s32 @!p2 $0x0  }
0x1d: {  	s5 =	simm.s32 @p1 $0x1;
	p0 =	seq.s32 s7, s2  }
0x1e: {  	s7 =	smul.u32 @!p0 $0xF7A, s2;
	p2 =	seq.s32 @!p0 s5, $0x0  }
0x1f: {  	s9 =	smul.u32 $0xF7A, s1;
	s8 =	simm.s32 @!p0 $0x1BF5;
	p2 =	por !p2, p0  }
0x20: {  	[sflag:s8] =	ssyncset.s32 @!p0 $0xFFFFF086;
	s6 =	sadd.s32 @!p0 s3, s7;
	s7 =	simm.s32 @!p0 $0x108  }
0x21: {  	s3 =	sadd.s32 s3, s9;
	s6 =	sadd.s32 @!p0 $0x88, s6;
	s7 =	simm.s32 @p2 $0x1082  }
0x22: {  	[simem:s7], [sflag:s8] =	dma.local @!p0 [hbm:s6], $0xF7A  }
0x23: {  	s9 =	sor.u32 $0xD0000000, s2;
	s6 =	simm.s32 $0x108;
	_ =	swait.ge @!p0 [sflag:s8], $0x0  }
0x24: {  	s3 =	sadd.s32 $0x88, s3;
	s6 =	simm.s32 @!p1 $0x1082;
	[sflag:s4] =	ssyncset.s32 $0xFFFFF086  }
0x25: {  	[simem:s6], [sflag:s4] =	dma.local [hbm:s3], $0xF7A  }
0x26: {  	[smem:$0x3FA0] =	sst s1;
	(tag) =	ssettag s2;
	_ =	strace s9  }
0x27: {  	s1 =	sld [smem:$0x3FB0]  }
0x28: {  	s2 =	sld [smem:$0x3FB1]  }
0x29: {  	s4 =	sld [smem:$0x3FB3]  }
0x2a: {  	p0 =	seq.s32 s5, $0x0;
	s5 =	sld [smem:$0x3FB4]  }
0x2b: {  	s6 =	sld [smem:$0x3FB5]  }
0x2c: {  	s7 =	sld [smem:$0x3FB6]  }
0x2d: {  	s3 =	simm.s32 $0x108;
	s8 =	sld [smem:$0x3FB7]  }
0x2e: {  	s3 =	simm.s32 @!p0 $0x1082;
	s9 =	sld [smem:$0x3FB8]  }
0x2f: {  	lr =	sadd.s32 s0, s3;
	s0 =	sld [smem:$0x3FAF]  }
0x30: {  	s3 =	sld [smem:$0x3FB2]  }
0x31: {  	[smem:$0x3FBB] =	sst s10  }
0x32: {  	s10 =	sld [smem:$0x3FB9];
	_ =	sdelay $0x3  }
0x33: {  	p0 =	seq.s32 s10, $0x1;
	s10 =	sld [smem:$0x3FBB];
	_ =	sdelay $0x3  }
0x34: {  	[smem:$0x3FBB] =	sst s10  }
0x35: {  	s10 =	sld [smem:$0x3FBA];
	_ =	sdelay $0x3  }
0x36: {  	p1 =	seq.s32 s10, $0x1;
	s10 =	sld [smem:$0x3FBB];
	_ =	sdelay $0x3  }
0x37: {  	[smem:$0x3FBB] =	sst s10  }
0x38: {  	s10 =	sld [smem:$0x3FBC]  }
0x39: {  	_ = 	snop;
	(pc) =	sbr.ind lr, $3  }
0x3a: {  	_ = 	snop  }
0x3b: {  	_ = 	snop  }
0x3c: {  	p2 =	seq.s32 s10, $0x1;
	s10 =	sld [smem:$0x3FBB]  }
0x3d: {  	_ =	shalt  }
0x3e: {  	_ =	shalt  }
0x3f: {  	_ =	shalt  }
0x40: {  	_ =	shalt  }
0x41: {  	_ =	shalt  }
0x42: {  	_ =	shalt  }
0x43: {  	_ =	shalt  }
0x44: {  	_ =	shalt  }
0x45: {  	_ =	shalt  }
0x46: {  	_ =	shalt  }
0x47: {  	_ =	shalt  }
0x48: {  	_ =	shalt  }
0x49: {  	_ =	shalt  }
0x4a: {  	_ =	shalt  }
0x4b: {  	_ =	shalt  }
0x4c: {  	_ =	shalt  }
0x4d: {  	_ =	shalt  }
0x4e: {  	_ =	shalt  }
0x4f: {  	_ =	shalt  }
0x50: {  	_ =	shalt  }
0x51: {  	_ =	shalt  }
0x52: {  	_ =	shalt  }
0x53: {  	_ =	shalt  }
0x54: {  	_ =	shalt  }
0x55: {  	_ =	shalt  }
0x56: {  	_ =	shalt  }
0x57: {  	_ =	shalt  }
0x58: {  	_ =	shalt  }
0x59: {  	_ =	shalt  }
0x5a: {  	_ =	shalt  }
0x5b: {  	_ =	shalt  }
0x5c: {  	_ =	shalt  }
0x5d: {  	_ =	shalt  }
0x5e: {  	_ =	shalt  }
0x5f: {  	_ =	shalt  }
0x60: {  	_ =	shalt  }
0x61: {  	_ =	shalt  }
0x62: {  	_ =	shalt  }
0x63: {  	_ =	shalt  }
0x64: {  	_ =	shalt  }
0x65: {  	_ =	shalt  }
0x66: {  	_ =	shalt  }
0x67: {  	_ =	shalt  }
0x68: {  	_ =	shalt  }
0x69: {  	_ =	shalt  }
0x6a: {  	_ =	shalt  }
0x6b: {  	_ =	shalt  }
0x6c: {  	_ =	shalt  }
0x6d: {  	_ =	shalt  }
0x6e: {  	_ =	shalt  }
0x6f: {  	_ =	shalt  }
0x70: {  	_ =	shalt  }
0x71: {  	_ =	shalt  }
0x72: {  	_ =	shalt  }
0x73: {  	_ =	shalt  }
0x74: {  	_ =	shalt  }
0x75: {  	_ =	shalt  }
0x76: {  	_ =	shalt  }
0x77: {  	_ =	shalt  }
0x78: {  	_ =	shalt  }
0x79: {  	_ =	shalt  }
0x7a: {  	_ =	shalt  }
0x7b: {  	_ =	shalt  }
0x7c: {  	_ =	shalt  }
0x7d: {  	_ =	shalt  }
0x7e: {  	_ =	shalt  }
0x7f: {  	_ =	shalt  }
0x80: {  	_ =	shalt  }
0x81: {  	_ =	shalt  }
0x82: {  	_ =	shalt  }
0x83: {  	_ =	shalt  }
0x84: {  	_ =	shalt  }
0x85: {  	_ =	shalt  }
0x86: {  	_ =	shalt  }
0x87: {  	_ =	shalt  }
.Lfunc_end0:
.L_simem_size_0:
called_computation_lowered:
.L_overlay_start_0:
0x88: {  	s2 =	sld [smem:$0x3FD9]  }
0x89: {  	s3 =	sld [smem:$0x3FFE];
	_ =	sdelay $0x1  }
0x8a: {  	s1 =	srdreg.scid  }
0x8b: {  	s0 =	sand.u32 $0x1, s1  }
0x8c: {  	s18 =	sshll.u32 s0, $0xA;
	s2 =	sadd.s32 s3, s2  }
0x8d: {  	s2 =	sadd.s32 s2, s18  }
0x8e: {  	[smem:$0x3FC7] =	sst s2  }
0x8f: {  	_ = 	snop  }
0x90: {  	s2 =	sld [smem:$0x3FC9]  }
0x91: {  	s19 =	sld [smem:$0x3FD0];
	(tm) =	ssettm $0x1  }
0x92: {  	s4 =	sld [smem:$0x3FFB];
	_ =	sdelay $0x3  }
0x93: {  	_ =	strace s4  }
0x94: {  	s4 =	sld [smem:$0x3FFC];
	_ =	sdelay $0x3  }
0x95: {  	_ =	strace s4  }
0x96: {  	s4 =	sld [smem:$0x3FFD];
	_ =	sdelay $0x3  }
0x97: {  	_ =	strace s4  }
0x98: {  	_ =	strace $0x8FFFFFFF  }
0x99: {  	s20 =	sld [smem:$0x3FDB];
	_ =	sdelay $0x1  }
0x9a: {  	s5 =	simm.s32 $_scs_section_size  }
0x9b: {  	s6 =	simm.s32 $_size__tile_overlayer_lowered;
	s7 =	simm.s32 $_tile_overlayer_lowered  }
0x9c: {  	s23 =	simm.s32 $0x1BFF;
	s22 =	sshll.u32 s7, $0x1;
	s4 =	sadd.s32 s5, s20  }
0x9d: {  	s8 =	simm.s32 $0x0;
	s21 =	sshll.u32 s6, $0x1;
	s6 =	sadd.s32 s22, s4  }
0x9e: {  	[timem:s8], [sflag:s23] =	dma.local [hbm:s6], s21  }
0x9f: {  	_ =	swait.ge [sflag:s23], s21  }
0xa0: {  	s5 =	ssub.s32 $0x0, s21;
	[sflag:s23] =	ssyncset.done $0x0  }
0xa1: {  	[sflag:s23] =	ssyncadd.s32 s5;
	_ =	sdelay $0x1  }
0xa2: {  	s24 =	simm.s32 $0x1B8B  }
0xa3: {  	_ =	swait.ge [sflag:s24], $0x1  }
0xa4: {  	[sflag:s24] =	ssyncset.done $0x0  }
0xa5: {  	s25 =	simm.s32 $0x1B8E;
	[sflag:s24] =	ssyncadd.s32 $0xFFFFFFFF  }
0xa6: {  	s26 =	simm.s32 $execute0_lowered;
	[smem:$0x3FD2] =	sst s25  }
0xa7: {  	s5 =	sshll.u32 s26, $0x1;
	_ =	strace $0x80000046;
	[dreg:$0x1] =	wrdreg $0xFFFFFFFF  }
0xa8: {  	s28 =	simm.s32 $_size_execute0_lowered;
	s4 =	sadd.s32 s4, s5;
	[dreg:$0x0] =	wrdreg $0x0  }
0xa9: {  	s5 =	sshll.u32 s28, $0x1;
	[dreg:$0x2] =	wrdreg s4  }
0xaa: {  	[dreg:$0x3] =	wrdreg s5  }
0xab: {  	[dreg:$0x4] =	wrdreg $0xC0  }
0xac: {  	_ =	task [dreg:s8], $0x5FFFF  }
0xad: {  	[dreg:$0x1] =	wrdreg $0xFFFFFFFF  }
0xae: {  	[dreg:$0x0] =	wrdreg $0x60  }
0xaf: {  	[dreg:$0x2] =	wrdreg s2  }
0xb0: {  	[dreg:$0x3] =	wrdreg s19  }
0xb1: {  	[dreg:$0x4] =	wrdreg $0x9  }
0xb2: {  	_ =	task.clear_ibuf [dreg:s8], $0x5FFFF;
	_ =	strace $0x90000046  }
0xb3: {  	s29 =	simm.s32 $0x9;
	_ =	strace $0x80000048  }
0xb4: {  	_ =	swait.ge [sflag:s29], $0x1  }
0xb5: {  	[sflag:s29] =	ssyncadd.s32 $0xFFFFFFFF  }
0xb6: {  	_ =	strace $0x90000048  }
0xb7: {  	_ =	sfence  }
0xb8: {  	s30 =	sld [smem:$0x0];
	_ =	sdelay $0x2  }
0xb9: {  	s31 =	sshll.u32 s1, $0xD;
	s1 =	sshrl.u32 s1, $0x2  }
0xba: {  	s3 =	sand.u32 $0x4000, s31;
	s1 =	sadd.s32 s1, s30  }
0xbb: {  	s0 =	sor.u32 s3, s0;
	s1 =	sshll.u32 s1, $0x11  }
0xbc: {  	s0 =	sor.u32 s1, s0  }
0xbd: {  	s0 =	sadd.s32 $0x8F2B, s0  }
0xbe: {  	[sflag:s0] =	ssyncadd.remote.s32 $0x1  }
0xbf: {  	_ =	sfence.sel $0xFFFF  }
0xc0: {  	[dreg:$0x0] =	wrdreg $0xFFFFFFFF;
	(pc) =	sbr.abs _section_cstart, $3  }
0xc1: {  	[dreg:$0x1] =	wrdreg $0xFFFFFFFF  }
0xc2: {  	_ =	task.clear_ibuf [dreg:s8], $0x2FFFF;
	_ =	strace $0x9FFFFFFF  }
0xc3: {  	(tm) =	ssettm $0x7FFFFFFF  }
tec
execute0_lowered:
.L_overlay_start_1:
0x0: {  	(tag) =	ssettag $0x1  }
0x1: {  	s0 =	srdreg.scid  }
0x2: {  	s2 =	stileid.u32;
	s0 =	sand.u32 $0x1, s0  }
0x3: {  	s2 =	sshll.u32 s2, $0x5;
	s4 =	sshll.u32 s0, $0x4;
	s0 =	ssub.s32 $0x2, s0  }
0x4: {  	s1 =	rddreg [dreg:$0x1];
	s2 =	sor.u32 s4, s2;
	s29 =	sshrl.u32 s0, $0x1  }
0x5: {  	s3 =	simm.s32 $0x0;
	s5 =	sshll.u32 s2, $0xD;
	s0 =	ssub.s32 s0, s29  }
0x6: {  	[smem:$0x7FF] =	sst s3;
	s4 =	sadd.s32 s1, s5;
	s0 =	smax.u32 s0, $0x1  }
0x7: {  	_ =	strace $0x80000047;
	s1 =	sadd.s32 $0x2000, s4;
	[dreg:$0x15] =	wrdreg s0  }
0x8: {  	s30 =	sadd.s32 $0x4000, s4;
	[dreg:$0x3] =	wrdreg s1  }
0x9: {  	s31 =	sadd.s32 $0x6000, s4;
	[dreg:$0x4] =	wrdreg s30  }
0xa: {  	s5 =	sadd.s32 $0x8000, s4;
	[dreg:$0x5] =	wrdreg s31  }
0xb: {  	s6 =	sadd.s32 $0xA000, s4;
	[dreg:$0x6] =	wrdreg s5  }
0xc: {  	s7 =	sadd.s32 $0xC000, s4;
	[dreg:$0x7] =	wrdreg s6  }
0xd: {  	s8 =	sadd.s32 $0xE000, s4;
	[dreg:$0x8] =	wrdreg s7  }
0xe: {  	s9 =	sadd.s32 $0x10000, s4;
	[dreg:$0x9] =	wrdreg s8  }
0xf: {  	s10 =	sadd.s32 $0x12000, s4;
	[dreg:$0xa] =	wrdreg s9  }
0x10: {  	s11 =	sadd.s32 $0x14000, s4;
	[dreg:$0xb] =	wrdreg s10  }
0x11: {  	s12 =	sadd.s32 $0x16000, s4;
	[dreg:$0xc] =	wrdreg s11  }
0x12: {  	s13 =	sadd.s32 $0x18000, s4;
	[dreg:$0xd] =	wrdreg s12  }
0x13: {  	s14 =	sadd.s32 $0x1A000, s4;
	[dreg:$0xe] =	wrdreg s13  }
0x14: {  	s15 =	sadd.s32 $0x1C000, s4;
	[dreg:$0xf] =	wrdreg s14  }
0x15: {  	s16 =	sadd.s32 $0x1E000, s4;
	[dreg:$0x10] =	wrdreg s15  }
0x16: {  	s17 =	sadd.s32 $0x1000, s4;
	[dreg:$0x11] =	wrdreg s16  }
0x17: {  	s18 =	sadd.s32 $0x3000, s4;
	[dreg:$0x12] =	wrdreg s17  }
0x18: {  	s19 =	sadd.s32 $0x5000, s4;
	[dreg:$0x13] =	wrdreg s18  }
0x19: {  	s20 =	sadd.s32 $0x7000, s4;
	[dreg:$0x14] =	wrdreg s19  }
0x1a: {  	s21 =	sadd.s32 $0x9000, s4;
	[dreg:$0x16] =	wrdreg s20  }
0x1b: {  	s22 =	sadd.s32 $0xB000, s4;
	[dreg:$0x17] =	wrdreg s21  }
0x1c: {  	s23 =	sadd.s32 $0xD000, s4;
	[dreg:$0x18] =	wrdreg s22  }
0x1d: {  	s26 =	sadd.s32 $0xF000, s4;
	[dreg:$0x19] =	wrdreg s23  }
0x1e: {  	s28 =	sadd.s32 $0x11000, s4;
	[dreg:$0x1a] =	wrdreg s26  }
0x1f: {  	s29 =	sadd.s32 $0x13000, s4;
	[dreg:$0x1b] =	wrdreg s28  }
0x20: {  	s24 =	sor.u32 $0xE, s2;
	s25 =	sadd.s32 $0xFFFFFEFE, s2;
	[dreg:$0x1c] =	wrdreg s29  }
0x21: {  	s30 =	sadd.s32 $0x15000, s4;
	s31 =	sadd.s32 $0x17000, s4;
	s6 =	sadd.s32 $0x19000, s4  }
0x22: {  	s7 =	sadd.s32 $0x1B000, s4;
	s8 =	sadd.s32 $0x1D000, s4;
	s9 =	sadd.s32 $0x1F000, s4  }
0x23: {  	s10 =	simm.s32 $0x2;
	s11 =	simm.s32 $0x2600;
	[dreg:$0x1d] =	wrdreg s30  }
0x24: {  	s12 =	simm.s32 $0x1;
	s13 =	simm.s32 $0x0;
	[dreg:$0x1e] =	wrdreg s31  }
.LBB2_1:
0x25: {  	s0 =	rddreg [dreg:$0x0];
	s14 =	sadd.s32 $0x1, s24;
	s23 =	smov.u32 s24  }
0x26: {  	[tilespmem:s3], [sflag:$0x2] =	stream.linear.gather [hbm4b:s0+s3], $0x2080, $0x38;
	[tilespmem:$0x12C00] =	vst v63  }
0x27: {  	p0 =	sgt.s32 s14, $0xFFFFFFE7;
	s15 =	smov.u32 s14;
	p1 =	sgt.s32 s14, $0xFFFFFFE0  }
0x28: {  	p2 =	sgt.s32 s14, $0xFFFFFFE2;
	p3 =	sgt.s32 s14, $0xFFFFFFE3;
	p4 =	sgt.s32 s14, $0xFFFFFFE4  }
0x29: {  	s16 =	smov.u32 s14;
	s17 =	smov.u32 s14;
	s20 =	smov.u32 s14  }
0x2a: {  	s22 =	smov.u32 s14;
	s15 =	simm.s32 @!p0 $0xFFFFFFE7;
	_ =	swait.ge [sflag:s10], $0x2080  }
0x2b: {  	s16 =	simm.s32 @!p2 $0xFFFFFFE2;
	s17 =	simm.s32 @!p3 $0xFFFFFFE3;
	p0 =	slt.s32 s15, $0x27  }
0x2c: {  	p2 =	sgt.s32 s14, $0xFFFFFFE6;
	[sflag:s10] =	ssyncset.done $0x0;
	s15 =	simm.s32 @!p0 $0x27  }
0x2d: {  	[sflag:s10] =	ssyncadd.s32 $0xFFFFDF80;
	p0 =	sgt.s32 s24, $0xFFFFFFE0;
	s15 =	sshll.u32 s15, $0x9  }
0x2e: {  	s23 =	simm.s32 @!p0 $0xFFFFFFE0;
	s21 =	sshra.s32 s15, $0x2;
	s15 =	smov.u32 s14  }
0x2f: {  	p0 =	slt.s32 s16, $0x22;
	v0 =	vld [tilespmem:s21+$0xC80];
	s15 =	simm.s32 @!p1 $0xFFFFFFE0;
	p1 =	sgt.s32 s14, $0xFFFFFFE5  }
0x30: {  	s16 =	simm.s32 @!p0 $0x22;
	s22 =	simm.s32 @!p1 $0xFFFFFFE5;
	p1 =	slt.s32 s15, $0x20  }
0x31: {  	s14 =	simm.s32 @!p2 $0xFFFFFFE6;
	s16 =	sshll.u32 s16, $0x9;
	s15 =	simm.s32 @!p1 $0x20  }
0x32: {  	p2 =	slt.s32 s17, $0x23;
	s16 =	sshra.s32 s16, $0x2;
	s15 =	sshll.u32 s15, $0x9  }
0x33: {  	s20 =	simm.s32 @!p4 $0xFFFFFFE4;
	s17 =	simm.s32 @!p2 $0x23;
	v2 =	vld [tilespmem:s16+$0xF00];
	s19 =	sshra.s32 s15, $0x2  }
0x34: {  	p1 =	slt.s32 s20, $0x24;
	s28 =	sshll.u32 s17, $0x9;
	[tilespmem:s11+$0x180] =	vst v0;
	v1 =	vld [tilespmem:s19+$0x1000]  }
0x35: {  	p2 =	slt.s32 s22, $0x25;
	s20 =	simm.s32 @!p1 $0x24;
	p1 =	slt.s32 s14, $0x26;
	v0 =	vld [tilespmem:s21+$0xC90]  }
0x36: {  	s18 =	sshra.s32 s28, $0x2;
	s29 =	sshll.u32 s20, $0x9;
	s14 =	simm.s32 @!p1 $0x26  }
0x37: {  	s22 =	simm.s32 @!p2 $0x25;
	v3 =	vld [tilespmem:s18+$0xE80];
	s20 =	sshra.s32 s29, $0x2;
	s14 =	sshll.u32 s14, $0x9  }
0x38: {  	p0 =	slt.s32 s23, $0x20;
	s30 =	sshll.u32 s22, $0x9;
	v4 =	vld [tilespmem:s20+$0xE00];
	s15 =	sshra.s32 s14, $0x2;
	[tilespmem:s11+$0xFFFFFF00] =	vst v2  }
0x39: {  	s23 =	simm.s32 @!p0 $0x20;
	s17 =	sshra.s32 s30, $0x2;
	v2 =	vld [tilespmem:s15+$0xD00];
	[tilespmem:s11+$0xFFFFFE00] =	vst v1  }
0x3a: {  	s31 =	sshll.u32 s23, $0x9;
	v1 =	vld [tilespmem:s17+$0xD80];
	[tilespmem:s11+$0x190] =	vst v0  }
0x3b: {  	s14 =	sshra.s32 s31, $0x2;
	v0 =	vld [tilespmem:s21+$0xCA0]  }
0x3c: {  	v5 =	vld [tilespmem:s14+$0x1000];
	[tilespmem:s11+$0xFFFFFF80] =	vst v3  }
0x3d: {  	v3 =	vld [tilespmem:s19+$0x1010];
	[tilespmem:s11+$0x0] =	vst v4  }
0x3e: {  	v4 =	vld [tilespmem:s16+$0xF10];
	[tilespmem:s11+$0x100] =	vst v2  }
0x3f: {  	v2 =	vld [tilespmem:s20+$0xE10];
	[tilespmem:s11+$0x80] =	vst v1  }
0x40: {  	v1 =	vld [tilespmem:s18+$0xE90];
	[tilespmem:s11+$0x1A0] =	vst v0  }
0x41: {  	[tilespmem:s11+$0xFFFFFE80] =	vst v5;
	v0 =	vld [tilespmem:s21+$0xCB0]  }
0x42: {  	v5 =	vld [tilespmem:s15+$0xD10];
	[tilespmem:s11+$0xFFFFFE10] =	vst v3  }
0x43: {  	v3 =	vld [tilespmem:s17+$0xD90];
	[tilespmem:s11+$0xFFFFFF10] =	vst v4  }
0x44: {  	v4 =	vld [tilespmem:s14+$0x1010];
	[tilespmem:s11+$0x10] =	vst v2  }
0x45: {  	v2 =	vld [tilespmem:s16+$0xF20];
	[tilespmem:s11+$0xFFFFFF90] =	vst v1  }
0x46: {  	v1 =	vld [tilespmem:s19+$0x1020];
	[tilespmem:s11+$0x1B0] =	vst v0  }
0x47: {  	[tilespmem:s11+$0x110] =	vst v5;
	v0 =	vld [tilespmem:s21+$0xCC0]  }
0x48: {  	v5 =	vld [tilespmem:s20+$0xE20];
	[tilespmem:s11+$0x90] =	vst v3  }
0x49: {  	v3 =	vld [tilespmem:s18+$0xEA0];
	[tilespmem:s11+$0xFFFFFE90] =	vst v4  }
0x4a: {  	[tilespmem:s11+$0xFFFFFF20] =	vst v2;
	v2 =	vld [tilespmem:s15+$0xD20]  }
0x4b: {  	v4 =	vld [tilespmem:s14+$0x1020];
	[tilespmem:s11+$0xFFFFFE20] =	vst v1  }
0x4c: {  	v1 =	vld [tilespmem:s17+$0xDA0];
	[tilespmem:s11+$0x1C0] =	vst v0  }
0x4d: {  	[tilespmem:s11+$0x20] =	vst v5;
	v0 =	vld [tilespmem:s21+$0xCD0]  }
0x4e: {  	v5 =	vld [tilespmem:s16+$0xF30];
	[tilespmem:s11+$0xFFFFFFA0] =	vst v3  }
0x4f: {  	v3 =	vld [tilespmem:s19+$0x1030];
	[tilespmem:s11+$0x120] =	vst v2  }
0x50: {  	[tilespmem:s11+$0xFFFFFEA0] =	vst v4;
	v2 =	vld [tilespmem:s20+$0xE30]  }
0x51: {  	v4 =	vld [tilespmem:s15+$0xD30];
	[tilespmem:s11+$0xA0] =	vst v1  }
0x52: {  	v1 =	vld [tilespmem:s18+$0xEB0];
	[tilespmem:s11+$0x1D0] =	vst v0  }
0x53: {  	[tilespmem:s11+$0xFFFFFF30] =	vst v5;
	v0 =	vld [tilespmem:s21+$0xCE0]  }
0x54: {  	v5 =	vld [tilespmem:s14+$0x1030];
	[tilespmem:s11+$0xFFFFFE30] =	vst v3  }
0x55: {  	v3 =	vld [tilespmem:s17+$0xDB0];
	[tilespmem:s11+$0x30] =	vst v2  }
0x56: {  	v2 =	vld [tilespmem:s16+$0xF40];
	[tilespmem:s11+$0x130] =	vst v4  }
0x57: {  	v4 =	vld [tilespmem:s20+$0xE40];
	[tilespmem:s11+$0xFFFFFFB0] =	vst v1  }
0x58: {  	v1 =	vld [tilespmem:s19+$0x1040];
	[tilespmem:s11+$0x1E0] =	vst v0  }
0x59: {  	[tilespmem:s11+$0xFFFFFEB0] =	vst v5;
	v0 =	vld [tilespmem:s21+$0xCF0]  }
0x5a: {  	[tilespmem:s11+$0xB0] =	vst v3;
	v3 =	vld [tilespmem:s18+$0xEC0]  }
0x5b: {  	v5 =	vld [tilespmem:s17+$0xDC0];
	[tilespmem:s11+$0xFFFFFF40] =	vst v2  }
0x5c: {  	v7 =	vld [tilespmem:s16+$0xF50];
	[tilespmem:s11+$0x40] =	vst v4  }
0x5d: {  	[tilespmem:s11+$0xFFFFFE40] =	vst v1;
	v1 =	vld [tilespmem:s14+$0x1040]  }
0x5e: {  	[tilespmem:s11+$0x1F0] =	vst v0;
	v0 =	vld [tilespmem:s15+$0xD40]  }
0x5f: {  	v6 =	vld [tilespmem:s19+$0x1050];
	[tilespmem:s11+$0xFFFFFFC0] =	vst v3  }
0x60: {  	v3 =	vld [tilespmem:s20+$0xE50];
	[tilespmem:s11+$0xC0] =	vst v5  }
0x61: {  	v4 =	vld [tilespmem:s18+$0xED0];
	[tilespmem:s11+$0xFFFFFF50] =	vst v7  }
0x62: {  	v2 =	vld [tilespmem:s17+$0xDD0];
	[tilespmem:s11+$0xFFFFFEC0] =	vst v1  }
0x63: {  	s5 =	sadd.s32 $0xFFFFFFF8, s24;
	[tilespmem:s11+$0x140] =	vst v0;
	v0 =	vld [tilespmem:s14+$0x1050]  }
0x64: {  	s23 =	simm.s32 $0x0;
	s22 =	simm.s32 $0x2600;
	s21 =	simm.s32 $0x2600;
	[tilespmem:s11+$0xFFFFFE50] =	vst v6;
	v1 =	vld [tilespmem:s15+$0xD50]  }
.LBB2_2:
0x65: {  	_ = 	snop  }
0x66: {  	s29 =	sadd.s32 $0x1, s5;
	s23 =	sadd.s32 $0x8, s23;
	v5 =	vld [tilespmem:s19+$0x1060];
	[tilespmem:s22+$0xFFFFFFD0] =	vst v4  }
0x67: {  	p3 =	sgt.s32 s29, $0xFFFFFFE7;
	p0 =	slt.u32 s23, $0x108;
	s28 =	smov.u32 s29;
	v4 =	vld [tilespmem:s16+$0xF60];
	[tilespmem:s22+$0x50] =	vst v3  }
0x68: {  	s0 =	simm.s32 @!p0 $0x0;
	s28 =	simm.s32 @!p3 $0xFFFFFFE7;
	[tilespmem:s22+$0xD0] =	vst v2;
	v3 =	vld [tilespmem:s18+$0xEE0]  }
0x69: {  	s0 =	simm.s32 @p0 $0x1;
	p0 =	slt.s32 s28, $0x27;
	[tilespmem:s22+$0x150] =	vst v1;
	v2 =	vld [tilespmem:s20+$0xE60]  }
0x6a: {  	p1 =	sgt.s32 s5, $0xFFFFFFE0;
	s28 =	simm.s32 @!p0 $0x27;
	[tilespmem:s22+$0xFFFFFED0] =	vst v0;
	v0 =	vld [tilespmem:s17+$0xDE0]  }
0x6b: {  	s26 =	smov.u32 s5;
	p2 =	sgt.s32 s29, $0xFFFFFFE0;
	s28 =	sshll.u32 s28, $0x9;
	[tilespmem:s22+$0xFFFFFE60] =	vst v5;
	v1 =	vld [tilespmem:s15+$0xD60]  }
0x6c: {  	p6 =	sgt.s32 s29, $0xFFFFFFE2;
	p4 =	sgt.s32 s29, $0xFFFFFFE3;
	v5 =	vld [tilespmem:s14+$0x1060];
	s28 =	sshra.s32 s28, $0x2;
	[tilespmem:s22+$0xFFFFFF60] =	vst v4  }
0x6d: {  	p5 =	sgt.s32 s29, $0xFFFFFFE4;
	s30 =	smov.u32 s29;
	s31 =	smov.u32 s29;
	v4 =	vld [tilespmem:s28+$0xC80];
	[tilespmem:s22+$0xFFFFFFE0] =	vst v3  }
0x6e: {  	s1 =	smov.u32 s29;
	s2 =	smov.u32 s29;
	s26 =	simm.s32 @!p1 $0xFFFFFFE0;
	v3 =	vld [tilespmem:s19+$0x1070];
	[tilespmem:s22+$0x60] =	vst v2  }
0x6f: {  	p3 =	sgt.s32 s29, $0xFFFFFFE5;
	s30 =	simm.s32 @!p2 $0xFFFFFFE0;
	p2 =	sgt.s32 s29, $0xFFFFFFE6;
	v2 =	vld [tilespmem:s16+$0xF70];
	[tilespmem:s22+$0xE0] =	vst v0  }
0x70: {  	s31 =	simm.s32 @!p6 $0xFFFFFFE2;
	s1 =	simm.s32 @!p5 $0xFFFFFFE4;
	s2 =	simm.s32 @!p3 $0xFFFFFFE5;
	[tilespmem:s22+$0x160] =	vst v1;
	v0 =	vld [tilespmem:s18+$0xEF0]  }
0x71: {  	p3 =	slt.s32 s30, $0x20;
	p6 =	slt.s32 s1, $0x24;
	[tilespmem:s21+$0xFFFFFEE0] =	vst v5;
	s22 =	sadd.s32 $0x400, s22;
	v1 =	vld [tilespmem:s20+$0xE70]  }
0x72: {  	[smem:$0x7FD] =	sst s0;
	s0 =	smov.u32 s29;
	s29 =	simm.s32 @!p2 $0xFFFFFFE6;
	[tilespmem:s22+$0x180] =	vst v4;
	v4 =	vld [tilespmem:s17+$0xDF0]  }
0x73: {  	p0 =	slt.s32 s31, $0x22;
	s30 =	simm.s32 @!p3 $0x20;
	s0 =	simm.s32 @!p4 $0xFFFFFFE3;
	v5 =	vld [tilespmem:s28+$0xC90];
	[tilespmem:s21+$0xFFFFFE70] =	vst v3  }
0x74: {  	s31 =	simm.s32 @!p0 $0x22;
	p5 =	slt.s32 s0, $0x23;
	s19 =	sshll.u32 s30, $0x9;
	[tilespmem:s21+$0xFFFFFF70] =	vst v2;
	v2 =	vld [tilespmem:s15+$0xD70]  }
0x75: {  	s0 =	simm.s32 @!p5 $0x23;
	s20 =	sshll.u32 s31, $0x9;
	s19 =	sshra.s32 s19, $0x2;
	v3 =	vld [tilespmem:s14+$0x1070];
	[tilespmem:s21+$0xFFFFFFF0] =	vst v0  }
0x76: {  	s1 =	simm.s32 @!p6 $0x24;
	s0 =	sshll.u32 s0, $0x9;
	s16 =	sshra.s32 s20, $0x2;
	v0 =	vld [tilespmem:s19+$0x1000];
	[tilespmem:s21+$0x70] =	vst v1  }
0x77: {  	p2 =	slt.s32 s2, $0x25;
	s1 =	sshll.u32 s1, $0x9;
	s18 =	sshra.s32 s0, $0x2;
	v1 =	vld [tilespmem:s16+$0xF00];
	[tilespmem:s21+$0xF0] =	vst v4  }
0x78: {  	p4 =	slt.s32 s29, $0x26;
	s2 =	simm.s32 @!p2 $0x25;
	s20 =	sshra.s32 s1, $0x2;
	v4 =	vld [tilespmem:s18+$0xE80];
	[tilespmem:s22+$0x190] =	vst v5  }
0x79: {  	p1 =	slt.s32 s26, $0x20;
	s29 =	simm.s32 @!p4 $0x26;
	s2 =	sshll.u32 s2, $0x9;
	[tilespmem:s21+$0x170] =	vst v2;
	v2 =	vld [tilespmem:s20+$0xE00]  }
0x7a: {  	s26 =	simm.s32 @!p1 $0x20;
	s29 =	sshll.u32 s29, $0x9;
	s17 =	sshra.s32 s2, $0x2;
	[tilespmem:s21+$0xFFFFFEF0] =	vst v3;
	v5 =	vld [tilespmem:s28+$0xCA0]  }
0x7b: {  	s30 =	sshll.u32 s26, $0x9;
	s15 =	sshra.s32 s29, $0x2;
	[tilespmem:s22+$0xFFFFFE00] =	vst v0;
	v0 =	vld [tilespmem:s17+$0xD80]  }
0x7c: {  	s14 =	sshra.s32 s30, $0x2;
	[tilespmem:s22+$0xFFFFFF00] =	vst v1;
	v1 =	vld [tilespmem:s15+$0xD00]  }
0x7d: {  	v3 =	vld [tilespmem:s14+$0x1000];
	[tilespmem:s22+$0xFFFFFF80] =	vst v4  }
0x7e: {  	v4 =	vld [tilespmem:s19+$0x1010];
	[tilespmem:s22+$0x0] =	vst v2  }
0x7f: {  	[tilespmem:s22+$0x1A0] =	vst v5;
	v5 =	vld [tilespmem:s16+$0xF10]  }
0x80: {  	[tilespmem:s22+$0x80] =	vst v0;
	v0 =	vld [tilespmem:s18+$0xE90]  }
0x81: {  	[tilespmem:s22+$0x100] =	vst v1;
	v1 =	vld [tilespmem:s20+$0xE10]  }
0x82: {  	[tilespmem:s22+$0xFFFFFE80] =	vst v3;
	v2 =	vld [tilespmem:s28+$0xCB0]  }
0x83: {  	v3 =	vld [tilespmem:s17+$0xD90];
	[tilespmem:s22+$0xFFFFFE10] =	vst v4  }
0x84: {  	v4 =	vld [tilespmem:s15+$0xD10];
	[tilespmem:s22+$0xFFFFFF10] =	vst v5  }
0x85: {  	v5 =	vld [tilespmem:s14+$0x1010];
	[tilespmem:s22+$0xFFFFFF90] =	vst v0  }
0x86: {  	v0 =	vld [tilespmem:s19+$0x1020];
	[tilespmem:s22+$0x10] =	vst v1  }
0x87: {  	[tilespmem:s22+$0x1B0] =	vst v2;
	v1 =	vld [tilespmem:s16+$0xF20]  }
0x88: {  	[tilespmem:s22+$0x90] =	vst v3;
	v3 =	vld [tilespmem:s18+$0xEA0]  }
0x89: {  	v2 =	vld [tilespmem:s28+$0xCC0];
	[tilespmem:s22+$0x110] =	vst v4  }
0x8a: {  	v4 =	vld [tilespmem:s20+$0xE20];
	[tilespmem:s22+$0xFFFFFE90] =	vst v5  }
0x8b: {  	[tilespmem:s22+$0xFFFFFE20] =	vst v0;
	v0 =	vld [tilespmem:s17+$0xDA0]  }
0x8c: {  	[tilespmem:s22+$0xFFFFFF20] =	vst v1;
	v1 =	vld [tilespmem:s15+$0xD20]  }
0x8d: {  	v5 =	vld [tilespmem:s14+$0x1020];
	[tilespmem:s22+$0xFFFFFFA0] =	vst v3  }
0x8e: {  	v3 =	vld [tilespmem:s19+$0x1030];
	[tilespmem:s22+$0x1C0] =	vst v2  }
0x8f: {  	[tilespmem:s22+$0x20] =	vst v4  }
0x90: {  	v2 =	vld [tilespmem:s28+$0xCD0];
	[tilespmem:s22+$0xA0] =	vst v0  }
0x91: {  	v4 =	vld [tilespmem:s16+$0xF30];
	[tilespmem:s22+$0x120] =	vst v1  }
0x92: {  	[tilespmem:s22+$0xFFFFFEA0] =	vst v5;
	v1 =	vld [tilespmem:s20+$0xE30]  }
0x93: {  	[tilespmem:s22+$0xFFFFFE30] =	vst v3;
	v3 =	vld [tilespmem:s17+$0xDB0]  }
0x94: {  	v5 =	vld [tilespmem:s14+$0x1030]  }
0x95: {  	[tilespmem:s22+$0x1D0] =	vst v2;
	v2 =	vld [tilespmem:s18+$0xEB0]  }
0x96: {  	[tilespmem:s22+$0xFFFFFF30] =	vst v4;
	v0 =	vld [tilespmem:s28+$0xCE0]  }
0x97: {  	[tilespmem:s22+$0x30] =	vst v1  }
0x98: {  	v4 =	vld [tilespmem:s15+$0xD30];
	[tilespmem:s22+$0xB0] =	vst v3  }
0x99: {  	v1 =	vld [tilespmem:s16+$0xF40];
	[tilespmem:s22+$0xFFFFFEB0] =	vst v5  }
0x9a: {  	v5 =	vld [tilespmem:s17+$0xDC0];
	[tilespmem:s22+$0xFFFFFFB0] =	vst v2  }
0x9b: {  	v2 =	vld [tilespmem:s19+$0x1040];
	[tilespmem:s22+$0x1E0] =	vst v0  }
0x9c: {  	v0 =	vld [tilespmem:s28+$0xCF0]  }
0x9d: {  	[tilespmem:s22+$0x130] =	vst v4;
	v4 =	vld [tilespmem:s20+$0xE40]  }
0x9e: {  	v3 =	vld [tilespmem:s18+$0xEC0];
	[tilespmem:s22+$0xFFFFFF40] =	vst v1  }
0x9f: {  	s31 =	sld [smem:$0x7FD];
	v6 =	vld [tilespmem:s16+$0xF50];
	[tilespmem:s22+$0xC0] =	vst v5  }
0xa0: {  	[tilespmem:s22+$0xFFFFFE40] =	vst v2;
	v2 =	vld [tilespmem:s14+$0x1040]  }
0xa1: {  	[tilespmem:s22+$0x1F0] =	vst v0;
	v0 =	vld [tilespmem:s15+$0xD40]  }
0xa2: {  	p0 =	seq.s32 s31, $0x1;
	[tilespmem:s22+$0x40] =	vst v4;
	v1 =	vld [tilespmem:s19+$0x1050]  }
.Ltmp0:
0xa3: {  	[tilespmem:s22+$0xFFFFFFC0] =	vst v3;
	v3 =	vld [tilespmem:s20+$0xE50];
	(pc) =	sbr.rel @p0 .LBB2_2-.Ltmp0, $4  }
0xa4: {  	v4 =	vld [tilespmem:s18+$0xED0];
	[tilespmem:s22+$0xFFFFFF50] =	vst v6  }
0xa5: {  	[tilespmem:s22+$0xFFFFFEC0] =	vst v2;
	v2 =	vld [tilespmem:s17+$0xDD0]  }
0xa6: {  	[tilespmem:s22+$0x140] =	vst v0;
	v0 =	vld [tilespmem:s14+$0x1050]  }
0xa7: {  	s5 =	sadd.s32 $0xFFFFFFF8, s5;
	s21 =	smov.u32 s22;
	[tilespmem:s22+$0xFFFFFE50] =	vst v1;
	v1 =	vld [tilespmem:s15+$0xD50]  }
0xa8: {  	v5 =	vld [tilespmem:s19+$0x1060];
	[tilespmem:s22+$0x50] =	vst v3  }
0xa9: {  	[tilespmem:s22+$0xFFFFFFD0] =	vst v4;
	v4 =	vld [tilespmem:s16+$0xF60]  }
0xaa: {  	v3 =	vld [tilespmem:s18+$0xEE0];
	[tilespmem:s22+$0xD0] =	vst v2  }
0xab: {  	v2 =	vld [tilespmem:s20+$0xE60];
	[tilespmem:s22+$0xFFFFFED0] =	vst v0  }
0xac: {  	v0 =	vld [tilespmem:s17+$0xDE0];
	[tilespmem:s22+$0x150] =	vst v1  }
0xad: {  	[tilespmem:s22+$0xFFFFFE60] =	vst v5;
	v1 =	vld [tilespmem:s15+$0xD60]  }
0xae: {  	v5 =	vld [tilespmem:s14+$0x1060];
	[tilespmem:s22+$0xFFFFFF60] =	vst v4  }
0xaf: {  	[tilespmem:s22+$0xFFFFFFE0] =	vst v3;
	v3 =	vld [tilespmem:s19+$0x1070]  }
0xb0: {  	[tilespmem:s22+$0x60] =	vst v2;
	v2 =	vld [tilespmem:s16+$0xF70]  }
0xb1: {  	[tilespmem:s22+$0xE0] =	vst v0;
	v0 =	vld [tilespmem:s18+$0xEF0]  }
0xb2: {  	v4 =	vld [tilespmem:s17+$0xDF0];
	[tilespmem:s22+$0x160] =	vst v1  }
0xb3: {  	v1 =	vld [tilespmem:s20+$0xE70];
	[tilespmem:s21+$0xFFFFFEE0] =	vst v5  }
0xb4: {  	[tilespmem:s21+$0xFFFFFE70] =	vst v3;
	v3 =	vld [tilespmem:s15+$0xD70]  }
0xb5: {  	[tilespmem:s21+$0xFFFFFF70] =	vst v2;
	v2 =	vld [tilespmem:s14+$0x1070]  }
0xb6: {  	[tilespmem:s21+$0xFFFFFFF0] =	vst v0  }
0xb7: {  	[tilespmem:s21+$0xF0] =	vst v4  }
0xb8: {  	[tilespmem:s21+$0x70] =	vst v1  }
0xb9: {  	[tilespmem:s21+$0x170] =	vst v3  }
0xba: {  	s0 =	simm.s32 $0x2B80;
	[tilespmem:s21+$0xFFFFFEF0] =	vst v2  }
0xbb: {  	[hbm4b:s4+s3] =	stream.linear.scatter [tilespmem:s0], [sflag:$0x1], $0x8000, $0x38;
	[tilespmem:$0x12C00] =	vst v63  }
0xbc: {  	s14 =	rddreg [dreg:$0x3]  }
0xbd: {  	s15 =	rddreg [dreg:$0x4]  }
0xbe: {  	s17 =	rddreg [dreg:$0x5]  }
0xbf: {  	s1 =	simm.s32 $0x2B00;
	s19 =	rddreg [dreg:$0x6]  }
0xc0: {  	[hbm4b:s14+s3] =	stream.linear.scatter [tilespmem:s1], [sflag:$0x1], $0x8000, $0x38;
	[tilespmem:$0x12C00] =	vst v63  }
0xc1: {  	s26 =	simm.s32 $0x2880;
	s16 =	simm.s32 $0x2A80;
	s21 =	rddreg [dreg:$0x7]  }
0xc2: {  	[hbm4b:s15+s3] =	stream.linear.scatter [tilespmem:s16], [sflag:$0x1], $0x8000, $0x38;
	[tilespmem:$0x12C00] =	vst v63  }
0xc3: {  	s29 =	simm.s32 $0x2800;
	s18 =	simm.s32 $0x2A00;
	s23 =	rddreg [dreg:$0x8]  }
0xc4: {  	[hbm4b:s17+s3] =	stream.linear.scatter [tilespmem:s18], [sflag:$0x1], $0x8000, $0x38;
	[tilespmem:$0x12C00] =	vst v63  }
0xc5: {  	s31 =	simm.s32 $0x2780;
	s20 =	simm.s32 $0x2980;
	s28 =	rddreg [dreg:$0x9]  }
0xc6: {  	[hbm4b:s19+s3] =	stream.linear.scatter [tilespmem:s20], [sflag:$0x1], $0x8000, $0x38;
	[tilespmem:$0x12C00] =	vst v63  }
0xc7: {  	s22 =	simm.s32 $0x2900;
	s30 =	rddreg [dreg:$0xa];
	s0 =	sadd.s32 $0x1, s25  }
0xc8: {  	[hbm4b:s21+s3] =	stream.linear.scatter [tilespmem:s22], [sflag:$0x1], $0x8000, $0x38;
	[tilespmem:$0x12C00] =	vst v63  }
0xc9: {  	s2 =	simm.s32 $0x2700;
	s5 =	rddreg [dreg:$0xc];
	p0 =	sgt.s32 s0, $0xFFFFFFE7  }
0xca: {  	[hbm4b:s23+s3] =	stream.linear.scatter [tilespmem:s26], [sflag:$0x1], $0x8000, $0x38;
	[tilespmem:$0x12C00] =	vst v63  }
0xcb: {  	p1 =	sgt.s32 s0, $0xFFFFFFE0;
	p2 =	sgt.s32 s0, $0xFFFFFFE2;
	s1 =	rddreg [dreg:$0xb]  }
0xcc: {  	[hbm4b:s28+s3] =	stream.linear.scatter [tilespmem:s29], [sflag:$0x1], $0x8000, $0x38;
	[tilespmem:$0x12C00] =	vst v63  }
0xcd: {  	p3 =	sgt.s32 s0, $0xFFFFFFE3;
	p4 =	sgt.s32 s0, $0xFFFFFFE4;
	s15 =	rddreg [dreg:$0xd]  }
0xce: {  	[hbm4b:s30+s3] =	stream.linear.scatter [tilespmem:s31], [sflag:$0x1], $0x8000, $0x38;
	[tilespmem:$0x12C00] =	vst v63  }
0xcf: {  	s14 =	simm.s32 $0x2680;
	s16 =	rddreg [dreg:$0xe];
	s17 =	simm.s32 $0x2580  }
0xd0: {  	[hbm4b:s1+s3] =	stream.linear.scatter [tilespmem:s2], [sflag:$0x1], $0x8000, $0x38;
	[tilespmem:$0x12C00] =	vst v63  }
0xd1: {  	s18 =	rddreg [dreg:$0xf];
	s19 =	simm.s32 $0x2500;
	s1 =	smov.u32 s0  }
0xd2: {  	s20 =	rddreg [dreg:$0x10];
	s21 =	simm.s32 $0x2480;
	s1 =	simm.s32 @!p0 $0xFFFFFFE7  }
0xd3: {  	[hbm4b:s5+s3] =	stream.linear.scatter [tilespmem:s14], [sflag:$0x1], $0x8000, $0x38;
	[tilespmem:$0x12C00] =	vst v63  }
0xd4: {  	s22 =	rddreg [dreg:$0x11];
	s2 =	smov.u32 s0;
	p0 =	slt.s32 s1, $0x27  }
0xd5: {  	s23 =	simm.s32 $0x2400;
	s2 =	simm.s32 @!p2 $0xFFFFFFE2;
	s1 =	simm.s32 @!p0 $0x27  }
0xd6: {  	[hbm4b:s15+s3] =	stream.linear.scatter [tilespmem:s11], [sflag:$0x1], $0x8000, $0x38;
	[tilespmem:$0x12C00] =	vst v63  }
0xd7: {  	p2 =	sgt.s32 s0, $0xFFFFFFE6;
	s5 =	smov.u32 s0;
	s1 =	sshll.u32 s1, $0x9  }
0xd8: {  	p0 =	sgt.s32 s25, $0xFFFFFFE0;
	s26 =	sshra.s32 s1, $0x2;
	s1 =	smov.u32 s0  }
0xd9: {  	[hbm4b:s16+s3] =	stream.linear.scatter [tilespmem:s17], [sflag:$0x1], $0x8000, $0x38;
	[tilespmem:$0x12C00] =	vst v63  }
0xda: {  	s5 =	simm.s32 @!p3 $0xFFFFFFE3;
	s15 =	smov.u32 s0;
	s1 =	simm.s32 @!p1 $0xFFFFFFE0  }
0xdb: {  	[hbm4b:s18+s3] =	stream.linear.scatter [tilespmem:s19], [sflag:$0x1], $0x8000, $0x38;
	[tilespmem:$0x12C00] =	vst v63  }
0xdc: {  	p1 =	sgt.s32 s0, $0xFFFFFFE5;
	s16 =	smov.u32 s0;
	s0 =	simm.s32 @!p2 $0xFFFFFFE6  }
0xdd: {  	[hbm4b:s20+s3] =	stream.linear.scatter [tilespmem:s21], [sflag:$0x1], $0x8000, $0x38;
	[tilespmem:$0x12C00] =	vst v63  }
0xde: {  	p2 =	slt.s32 s5, $0x23;
	s16 =	simm.s32 @!p1 $0xFFFFFFE5;
	p1 =	slt.s32 s1, $0x20  }
0xdf: {  	[hbm4b:s22+s3] =	stream.linear.scatter [tilespmem:s23], [sflag:$0x1], $0x8000, $0x38;
	[tilespmem:$0x12C00] =	vst v63  }
0xe0: {  	s5 =	simm.s32 @!p2 $0x23;
	s1 =	simm.s32 @!p1 $0x20;
	s23 =	smov.u32 s25;
	v0 =	vld [tilespmem:s26+$0xC80]  }
0xe1: {  	s1 =	sshll.u32 s1, $0x9;
	s23 =	simm.s32 @!p0 $0xFFFFFFE0;
	p0 =	slt.s32 s2, $0x22  }
0xe2: {  	s28 =	sshll.u32 s5, $0x9;
	s20 =	sshra.s32 s1, $0x2;
	s2 =	simm.s32 @!p0 $0x22  }
0xe3: {  	s15 =	simm.s32 @!p4 $0xFFFFFFE4;
	s19 =	sshra.s32 s28, $0x2;
	v1 =	vld [tilespmem:s20+$0x1000];
	s2 =	sshll.u32 s2, $0x9  }
0xe4: {  	s14 =	simm.s32 $0xAFF0;
	p1 =	slt.s32 s15, $0x24;
	v3 =	vld [tilespmem:s19+$0xE80];
	s17 =	sshra.s32 s2, $0x2  }
0xe5: {  	p2 =	slt.s32 s16, $0x25;
	s15 =	simm.s32 @!p1 $0x24;
	v2 =	vld [tilespmem:s17+$0xF00];
	[tilespmem:s14+$0xFFFFFF90] =	vst v0  }
0xe6: {  	s16 =	simm.s32 @!p2 $0x25;
	s29 =	sshll.u32 s15, $0x9;
	v0 =	vld [tilespmem:s26+$0xC90]  }
0xe7: {  	p1 =	slt.s32 s0, $0x26;
	s30 =	sshll.u32 s16, $0x9;
	s21 =	sshra.s32 s29, $0x2  }
0xe8: {  	s0 =	simm.s32 @!p1 $0x26;
	s18 =	sshra.s32 s30, $0x2;
	v4 =	vld [tilespmem:s21+$0xE00];
	[tilespmem:s14+$0xFFFFFC10] =	vst v1  }
0xe9: {  	s0 =	sshll.u32 s0, $0x9;
	p0 =	slt.s32 s23, $0x20;
	v1 =	vld [tilespmem:s18+$0xD80];
	[tilespmem:s14+$0xFFFFFD90] =	vst v3  }
0xea: {  	s16 =	sshra.s32 s0, $0x2;
	s23 =	simm.s32 @!p0 $0x20;
	v3 =	vld [tilespmem:s20+$0x1010];
	[tilespmem:s14+$0xFFFFFD10] =	vst v2  }
0xeb: {  	s31 =	sshll.u32 s23, $0x9;
	v2 =	vld [tilespmem:s16+$0xD00];
	[tilespmem:s14+$0xFFFFFFA0] =	vst v0  }
0xec: {  	s15 =	sshra.s32 s31, $0x2;
	v0 =	vld [tilespmem:s26+$0xCA0]  }
0xed: {  	v5 =	vld [tilespmem:s15+$0x1000];
	[tilespmem:s14+$0xFFFFFE10] =	vst v4  }
0xee: {  	v4 =	vld [tilespmem:s17+$0xF10];
	[tilespmem:s14+$0xFFFFFE90] =	vst v1  }
0xef: {  	v1 =	vld [tilespmem:s19+$0xE90];
	[tilespmem:s14+$0xFFFFFC20] =	vst v3  }
0xf0: {  	v3 =	vld [tilespmem:s18+$0xD90];
	[tilespmem:s14+$0xFFFFFF10] =	vst v2  }
0xf1: {  	v2 =	vld [tilespmem:s21+$0xE10];
	[tilespmem:s14+$0xFFFFFFB0] =	vst v0  }
0xf2: {  	[tilespmem:s14+$0xFFFFFC90] =	vst v5;
	v0 =	vld [tilespmem:s26+$0xCB0]  }
0xf3: {  	[tilespmem:s14+$0xFFFFFD20] =	vst v4  }
0xf4: {  	v5 =	vld [tilespmem:s16+$0xD10];
	[tilespmem:s14+$0xFFFFFDA0] =	vst v1  }
0xf5: {  	v1 =	vld [tilespmem:s20+$0x1020];
	[tilespmem:s14+$0xFFFFFEA0] =	vst v3  }
0xf6: {  	v3 =	vld [tilespmem:s19+$0xEA0];
	[tilespmem:s14+$0xFFFFFE20] =	vst v2  }
0xf7: {  	v2 =	vld [tilespmem:s17+$0xF20];
	[tilespmem:s14+$0xFFFFFFC0] =	vst v0  }
0xf8: {  	v0 =	vld [tilespmem:s26+$0xCC0]  }
0xf9: {  	v4 =	vld [tilespmem:s15+$0x1010];
	[tilespmem:s14+$0xFFFFFF20] =	vst v5  }
0xfa: {  	v5 =	vld [tilespmem:s21+$0xE20];
	[tilespmem:s14+$0xFFFFFC30] =	vst v1  }
0xfb: {  	v1 =	vld [tilespmem:s18+$0xDA0];
	[tilespmem:s14+$0xFFFFFDB0] =	vst v3  }
0xfc: {  	v3 =	vld [tilespmem:s20+$0x1030];
	[tilespmem:s14+$0xFFFFFD30] =	vst v2  }
0xfd: {  	v2 =	vld [tilespmem:s16+$0xD20];
	[tilespmem:s14+$0xFFFFFFD0] =	vst v0  }
0xfe: {  	[tilespmem:s14+$0xFFFFFCA0] =	vst v4;
	v0 =	vld [tilespmem:s26+$0xCD0]  }
0xff: {  	v4 =	vld [tilespmem:s15+$0x1020];
	[tilespmem:s14+$0xFFFFFE30] =	vst v5  }
0x100: {  	v5 =	vld [tilespmem:s17+$0xF30];
	[tilespmem:s14+$0xFFFFFEB0] =	vst v1  }
0x101: {  	v1 =	vld [tilespmem:s19+$0xEB0];
	[tilespmem:s14+$0xFFFFFC40] =	vst v3  }
0x102: {  	v3 =	vld [tilespmem:s18+$0xDB0];
	[tilespmem:s14+$0xFFFFFF30] =	vst v2  }
0x103: {  	v2 =	vld [tilespmem:s21+$0xE30];
	[tilespmem:s14+$0xFFFFFFE0] =	vst v0  }
0x104: {  	[tilespmem:s14+$0xFFFFFCB0] =	vst v4;
	v0 =	vld [tilespmem:s26+$0xCE0]  }
0x105: {  	[tilespmem:s14+$0xFFFFFD40] =	vst v5;
	v4 =	vld [tilespmem:s16+$0xD30]  }
0x106: {  	v5 =	vld [tilespmem:s15+$0x1030];
	[tilespmem:s14+$0xFFFFFDC0] =	vst v1  }
0x107: {  	v1 =	vld [tilespmem:s20+$0x1040];
	[tilespmem:s14+$0xFFFFFEC0] =	vst v3  }
0x108: {  	v3 =	vld [tilespmem:s19+$0xEC0];
	[tilespmem:s14+$0xFFFFFE40] =	vst v2  }
0x109: {  	v2 =	vld [tilespmem:s17+$0xF40];
	[tilespmem:s14+$0xFFFFFFF0] =	vst v0  }
0x10a: {  	[tilespmem:s14+$0xFFFFFF40] =	vst v4;
	v0 =	vld [tilespmem:s26+$0xCF0]  }
0x10b: {  	[tilespmem:s14+$0xFFFFFCC0] =	vst v5;
	v4 =	vld [tilespmem:s21+$0xE40]  }
0x10c: {  	v5 =	vld [tilespmem:s18+$0xDC0];
	[tilespmem:s14+$0xFFFFFC50] =	vst v1  }
0x10d: {  	v1 =	vld [tilespmem:s15+$0x1040];
	[tilespmem:s14+$0xFFFFFDD0] =	vst v3  }
0x10e: {  	v6 =	vld [tilespmem:s20+$0x1050];
	[tilespmem:s14+$0xFFFFFD50] =	vst v2  }
0x10f: {  	[tilespmem:s14+$0x0] =	vst v0;
	v0 =	vld [tilespmem:s16+$0xD40]  }
0x110: {  	v7 =	vld [tilespmem:s17+$0xF50];
	[tilespmem:s14+$0xFFFFFE50] =	vst v4  }
0x111: {  	v4 =	vld [tilespmem:s19+$0xED0];
	[tilespmem:s14+$0xFFFFFED0] =	vst v5  }
0x112: {  	v3 =	vld [tilespmem:s21+$0xE50];
	[tilespmem:s14+$0xFFFFFCD0] =	vst v1  }
0x113: {  	v2 =	vld [tilespmem:s18+$0xDD0];
	[tilespmem:s14+$0xFFFFFC60] =	vst v6  }
0x114: {  	[tilespmem:s14+$0xFFFFFF50] =	vst v0;
	v0 =	vld [tilespmem:s15+$0x1050]  }
0x115: {  	s22 =	simm.s32 $0xAFF0;
	s23 =	simm.s32 $0x110;
	s26 =	sadd.s32 $0xFFFFFFF8, s25;
	[tilespmem:s14+$0xFFFFFD60] =	vst v7;
	v1 =	vld [tilespmem:s16+$0xD50]  }
.LBB2_4:
0x116: {  	s23 =	sadd.s32 $0x8, s23  }
0x117: {  	p0 =	slt.u32 s23, $0x208  }
0x118: {  	s0 =	simm.s32 @!p0 $0x0  }
0x119: {  	s29 =	sadd.s32 $0x1, s26;
	v5 =	vld [tilespmem:s20+$0x1060];
	s0 =	simm.s32 @p0 $0x1;
	[tilespmem:s14+$0xFFFFFDE0] =	vst v4  }
0x11a: {  	p3 =	sgt.s32 s29, $0xFFFFFFE7;
	[smem:$0x7FC] =	sst s0;
	v4 =	vld [tilespmem:s17+$0xF60];
	[tilespmem:s14+$0xFFFFFE60] =	vst v3;
	s0 =	smov.u32 s29  }
0x11b: {  	[tilespmem:s14+$0xFFFFFEE0] =	vst v2;
	s0 =	simm.s32 @!p3 $0xFFFFFFE7;
	v3 =	vld [tilespmem:s19+$0xEE0]  }
0x11c: {  	[tilespmem:s14+$0xFFFFFF60] =	vst v1;
	v2 =	vld [tilespmem:s21+$0xE60];
	p0 =	slt.s32 s0, $0x27  }
0x11d: {  	p1 =	sgt.s32 s26, $0xFFFFFFE0;
	p2 =	sgt.s32 s29, $0xFFFFFFE0;
	[tilespmem:s14+$0xFFFFFCE0] =	vst v0;
	v0 =	vld [tilespmem:s18+$0xDE0];
	s0 =	simm.s32 @!p0 $0x27  }
0x11e: {  	p6 =	sgt.s32 s29, $0xFFFFFFE2;
	p4 =	sgt.s32 s29, $0xFFFFFFE3;
	[tilespmem:s14+$0xFFFFFC70] =	vst v5;
	v1 =	vld [tilespmem:s16+$0xD60];
	s0 =	sshll.u32 s0, $0x9  }
0x11f: {  	p5 =	sgt.s32 s29, $0xFFFFFFE4;
	s1 =	smov.u32 s29;
	v5 =	vld [tilespmem:s15+$0x1060];
	s28 =	sshra.s32 s0, $0x2;
	[tilespmem:s14+$0xFFFFFD70] =	vst v4  }
0x120: {  	s2 =	smov.u32 s29;
	s5 =	smov.u32 s29;
	s30 =	smov.u32 s29;
	v4 =	vld [tilespmem:s28+$0xC80];
	[tilespmem:s14+$0xFFFFFDF0] =	vst v3  }
0x121: {  	s31 =	smov.u32 s29;
	s1 =	simm.s32 @!p2 $0xFFFFFFE0;
	p2 =	sgt.s32 s29, $0xFFFFFFE6;
	[tilespmem:s14+$0xFFFFFE70] =	vst v2;
	v2 =	vld [tilespmem:s17+$0xF70]  }
0x122: {  	s2 =	simm.s32 @!p6 $0xFFFFFFE2;
	s5 =	simm.s32 @!p4 $0xFFFFFFE3;
	s30 =	simm.s32 @!p5 $0xFFFFFFE4;
	v3 =	vld [tilespmem:s20+$0x1070];
	[tilespmem:s14+$0xFFFFFEF0] =	vst v0  }
0x123: {  	p5 =	slt.s32 s5, $0x23;
	p6 =	slt.s32 s30, $0x24;
	p3 =	sgt.s32 s29, $0xFFFFFFE5;
	[tilespmem:s14+$0xFFFFFF70] =	vst v1;
	v0 =	vld [tilespmem:s19+$0xEF0]  }
0x124: {  	s31 =	simm.s32 @!p3 $0xFFFFFFE5;
	p3 =	slt.s32 s1, $0x20;
	[tilespmem:s22+$0xFFFFFCF0] =	vst v5;
	s14 =	sadd.s32 $0x400, s14;
	v1 =	vld [tilespmem:s21+$0xE70]  }
0x125: {  	s5 =	simm.s32 @!p5 $0x23;
	p0 =	slt.s32 s2, $0x22;
	s1 =	simm.s32 @!p3 $0x20;
	[tilespmem:s14+$0xFFFFFF90] =	vst v4;
	v4 =	vld [tilespmem:s18+$0xDF0]  }
0x126: {  	s30 =	simm.s32 @!p6 $0x24;
	s2 =	simm.s32 @!p0 $0x22;
	s1 =	sshll.u32 s1, $0x9;
	[tilespmem:s22+$0xFFFFFD80] =	vst v2;
	v2 =	vld [tilespmem:s16+$0xD70]  }
0x127: {  	s29 =	simm.s32 @!p2 $0xFFFFFFE6;
	s2 =	sshll.u32 s2, $0x9;
	s20 =	sshra.s32 s1, $0x2;
	[tilespmem:s22+$0xFFFFFC80] =	vst v3;
	v5 =	vld [tilespmem:s28+$0xC90]  }
0x128: {  	p4 =	slt.s32 s29, $0x26;
	p2 =	slt.s32 s31, $0x25;
	s17 =	sshra.s32 s2, $0x2;
	[tilespmem:s22+$0xFFFFFE00] =	vst v0;
	v0 =	vld [tilespmem:s20+$0x1000]  }
0x129: {  	s5 =	sshll.u32 s5, $0x9;
	s29 =	simm.s32 @!p4 $0x26;
	s31 =	simm.s32 @!p2 $0x25;
	[tilespmem:s22+$0xFFFFFE80] =	vst v1;
	v1 =	vld [tilespmem:s17+$0xF00]  }
0x12a: {  	s0 =	smov.u32 s26;
	s21 =	sshll.u32 s30, $0x9;
	s19 =	sshra.s32 s5, $0x2;
	v3 =	vld [tilespmem:s15+$0x1070];
	[tilespmem:s22+$0xFFFFFF00] =	vst v4  }
0x12b: {  	s31 =	sshll.u32 s31, $0x9;
	s0 =	simm.s32 @!p1 $0xFFFFFFE0;
	s21 =	sshra.s32 s21, $0x2;
	v4 =	vld [tilespmem:s19+$0xE80];
	[tilespmem:s22+$0xFFFFFF80] =	vst v2  }
0x12c: {  	s29 =	sshll.u32 s29, $0x9;
	p1 =	slt.s32 s0, $0x20;
	s18 =	sshra.s32 s31, $0x2;
	v2 =	vld [tilespmem:s21+$0xE00];
	[tilespmem:s14+$0xFFFFFFA0] =	vst v5  }
0x12d: {  	s0 =	simm.s32 @!p1 $0x20;
	s16 =	sshra.s32 s29, $0x2;
	[tilespmem:s14+$0xFFFFFC10] =	vst v0;
	v0 =	vld [tilespmem:s18+$0xD80]  }
0x12e: {  	s0 =	sshll.u32 s0, $0x9;
	[tilespmem:s14+$0xFFFFFD10] =	vst v1;
	v1 =	vld [tilespmem:s16+$0xD00]  }
0x12f: {  	s15 =	sshra.s32 s0, $0x2;
	[tilespmem:s22+$0xFFFFFD00] =	vst v3;
	v5 =	vld [tilespmem:s28+$0xCA0]  }
0x130: {  	v3 =	vld [tilespmem:s15+$0x1000];
	[tilespmem:s14+$0xFFFFFD90] =	vst v4  }
0x131: {  	v4 =	vld [tilespmem:s20+$0x1010];
	[tilespmem:s14+$0xFFFFFE10] =	vst v2  }
0x132: {  	[tilespmem:s14+$0xFFFFFE90] =	vst v0;
	v0 =	vld [tilespmem:s19+$0xE90]  }
0x133: {  	[tilespmem:s14+$0xFFFFFF10] =	vst v1;
	v1 =	vld [tilespmem:s21+$0xE10]  }
0x134: {  	[tilespmem:s14+$0xFFFFFFB0] =	vst v5;
	v5 =	vld [tilespmem:s17+$0xF10]  }
0x135: {  	[tilespmem:s14+$0xFFFFFC90] =	vst v3;
	v3 =	vld [tilespmem:s18+$0xD90]  }
0x136: {  	v2 =	vld [tilespmem:s28+$0xCB0];
	[tilespmem:s14+$0xFFFFFC20] =	vst v4  }
0x137: {  	v4 =	vld [tilespmem:s16+$0xD10];
	[tilespmem:s14+$0xFFFFFDA0] =	vst v0  }
0x138: {  	v0 =	vld [tilespmem:s20+$0x1020];
	[tilespmem:s14+$0xFFFFFE20] =	vst v1  }
0x139: {  	[tilespmem:s14+$0xFFFFFD20] =	vst v5;
	v5 =	vld [tilespmem:s15+$0x1010]  }
0x13a: {  	[tilespmem:s14+$0xFFFFFEA0] =	vst v3;
	v3 =	vld [tilespmem:s19+$0xEA0]  }
0x13b: {  	[tilespmem:s14+$0xFFFFFFC0] =	vst v2;
	v1 =	vld [tilespmem:s17+$0xF20]  }
0x13c: {  	v2 =	vld [tilespmem:s28+$0xCC0];
	[tilespmem:s14+$0xFFFFFF20] =	vst v4  }
0x13d: {  	v4 =	vld [tilespmem:s21+$0xE20];
	[tilespmem:s14+$0xFFFFFC30] =	vst v0  }
0x13e: {  	v0 =	vld [tilespmem:s18+$0xDA0];
	[tilespmem:s14+$0xFFFFFCA0] =	vst v5  }
0x13f: {  	[tilespmem:s14+$0xFFFFFDB0] =	vst v3;
	v3 =	vld [tilespmem:s20+$0x1030]  }
0x140: {  	[tilespmem:s14+$0xFFFFFD30] =	vst v1;
	v1 =	vld [tilespmem:s16+$0xD20]  }
0x141: {  	v5 =	vld [tilespmem:s15+$0x1020];
	[tilespmem:s14+$0xFFFFFFD0] =	vst v2  }
0x142: {  	[tilespmem:s14+$0xFFFFFE30] =	vst v4  }
0x143: {  	v2 =	vld [tilespmem:s28+$0xCD0];
	[tilespmem:s14+$0xFFFFFEB0] =	vst v0  }
0x144: {  	v4 =	vld [tilespmem:s17+$0xF30];
	[tilespmem:s14+$0xFFFFFC40] =	vst v3  }
0x145: {  	v3 =	vld [tilespmem:s18+$0xDB0];
	[tilespmem:s14+$0xFFFFFF30] =	vst v1  }
0x146: {  	[tilespmem:s14+$0xFFFFFCB0] =	vst v5;
	v1 =	vld [tilespmem:s21+$0xE30]  }
0x147: {  	v5 =	vld [tilespmem:s15+$0x1030]  }
0x148: {  	[tilespmem:s14+$0xFFFFFFE0] =	vst v2;
	v2 =	vld [tilespmem:s19+$0xEB0]  }
0x149: {  	[tilespmem:s14+$0xFFFFFD40] =	vst v4;
	v0 =	vld [tilespmem:s28+$0xCE0]  }
0x14a: {  	[tilespmem:s14+$0xFFFFFEC0] =	vst v3  }
0x14b: {  	v4 =	vld [tilespmem:s16+$0xD30];
	[tilespmem:s14+$0xFFFFFE40] =	vst v1  }
0x14c: {  	v1 =	vld [tilespmem:s17+$0xF40];
	[tilespmem:s14+$0xFFFFFCC0] =	vst v5  }
0x14d: {  	v5 =	vld [tilespmem:s18+$0xDC0];
	[tilespmem:s14+$0xFFFFFDC0] =	vst v2  }
0x14e: {  	v2 =	vld [tilespmem:s20+$0x1040];
	[tilespmem:s14+$0xFFFFFFF0] =	vst v0  }
0x14f: {  	v0 =	vld [tilespmem:s28+$0xCF0]  }
0x150: {  	[tilespmem:s14+$0xFFFFFF40] =	vst v4;
	v4 =	vld [tilespmem:s21+$0xE40]  }
0x151: {  	v3 =	vld [tilespmem:s19+$0xEC0];
	[tilespmem:s14+$0xFFFFFD50] =	vst v1  }
0x152: {  	s31 =	sld [smem:$0x7FC];
	v6 =	vld [tilespmem:s17+$0xF50];
	[tilespmem:s14+$0xFFFFFED0] =	vst v5  }
0x153: {  	[tilespmem:s14+$0xFFFFFC50] =	vst v2;
	v2 =	vld [tilespmem:s15+$0x1040]  }
0x154: {  	[tilespmem:s14+$0x0] =	vst v0;
	v0 =	vld [tilespmem:s16+$0xD40]  }
0x155: {  	p0 =	seq.s32 s31, $0x1;
	[tilespmem:s14+$0xFFFFFE50] =	vst v4;
	v1 =	vld [tilespmem:s20+$0x1050]  }
.Ltmp1:
0x156: {  	[tilespmem:s14+$0xFFFFFDD0] =	vst v3;
	v3 =	vld [tilespmem:s21+$0xE50];
	(pc) =	sbr.rel @p0 .LBB2_4-.Ltmp1, $4  }
0x157: {  	v4 =	vld [tilespmem:s19+$0xED0];
	[tilespmem:s14+$0xFFFFFD60] =	vst v6  }
0x158: {  	[tilespmem:s14+$0xFFFFFCD0] =	vst v2;
	v2 =	vld [tilespmem:s18+$0xDD0]  }
0x159: {  	[tilespmem:s14+$0xFFFFFF50] =	vst v0;
	v0 =	vld [tilespmem:s15+$0x1050]  }
0x15a: {  	s26 =	sadd.s32 $0xFFFFFFF8, s26;
	s22 =	smov.u32 s14;
	[tilespmem:s14+$0xFFFFFC60] =	vst v1;
	v1 =	vld [tilespmem:s16+$0xD50]  }
0x15b: {  	v5 =	vld [tilespmem:s20+$0x1060];
	[tilespmem:s14+$0xFFFFFE60] =	vst v3  }
0x15c: {  	v52 =	vld [tilespmem:s17+$0xF60];
	[tilespmem:s14+$0xFFFFFDE0] =	vst v4  }
0x15d: {  	v54 =	vld [tilespmem:s21+$0xE60];
	[tilespmem:s14+$0xFFFFFEE0] =	vst v2  }
0x15e: {  	v53 =	vld [tilespmem:s19+$0xEE0];
	[tilespmem:s14+$0xFFFFFCE0] =	vst v0  }
0x15f: {  	v55 =	vld [tilespmem:s18+$0xDE0];
	[tilespmem:s14+$0xFFFFFF60] =	vst v1  }
0x160: {  	v56 =	vld [tilespmem:s15+$0x1060];
	[tilespmem:s14+$0xFFFFFC70] =	vst v5  }
0x161: {  	v1 =	vld [tilespmem:s16+$0xD60];
	[tilespmem:s14+$0xFFFFFD70] =	vst v52  }
0x162: {  	v57 =	vld [tilespmem:s20+$0x1070];
	[tilespmem:s14+$0xFFFFFE70] =	vst v54  }
0x163: {  	v58 =	vld [tilespmem:s17+$0xF70];
	[tilespmem:s14+$0xFFFFFDF0] =	vst v53  }
0x164: {  	v60 =	vld [tilespmem:s21+$0xE70];
	[tilespmem:s14+$0xFFFFFEF0] =	vst v55  }
0x165: {  	v59 =	vld [tilespmem:s19+$0xEF0];
	[tilespmem:s22+$0xFFFFFCF0] =	vst v56  }
0x166: {  	v61 =	vld [tilespmem:s18+$0xDF0];
	[tilespmem:s14+$0xFFFFFF70] =	vst v1  }
0x167: {  	v63 =	vld [tilespmem:s15+$0x1070];
	[tilespmem:s22+$0xFFFFFC80] =	vst v57  }
0x168: {  	v62 =	vld [tilespmem:s16+$0xD70];
	[tilespmem:s22+$0xFFFFFD80] =	vst v58  }
0x169: {  	[tilespmem:s22+$0xFFFFFE80] =	vst v60  }
0x16a: {  	[tilespmem:s22+$0xFFFFFE00] =	vst v59  }
0x16b: {  	[tilespmem:s22+$0xFFFFFF00] =	vst v61  }
0x16c: {  	[tilespmem:s22+$0xFFFFFD00] =	vst v63  }
0x16d: {  	[tilespmem:s22+$0xFFFFFF80] =	vst v62  }
0x16e: {  	s1 =	simm.s32 $0xAB80;
	s0 =	rddreg [dreg:$0x12]  }
0x16f: {  	[hbm4b:s0+s3] =	stream.linear.scatter [tilespmem:s1], [sflag:$0x1], $0x8000, $0x38;
	[tilespmem:$0x12C00] =	vst v63  }
0x170: {  	s20 =	simm.s32 $0xAB00;
	s19 =	rddreg [dreg:$0x13]  }
0x171: {  	[hbm4b:s19+s3] =	stream.linear.scatter [tilespmem:s20], [sflag:$0x1], $0x8000, $0x38;
	[tilespmem:$0x12C00] =	vst v63  }
0x172: {  	s22 =	simm.s32 $0xAA80;
	s21 =	rddreg [dreg:$0x14]  }
0x173: {  	[hbm4b:s21+s3] =	stream.linear.scatter [tilespmem:s22], [sflag:$0x1], $0x8000, $0x38;
	[tilespmem:$0x12C00] =	vst v63  }
0x174: {  	s26 =	simm.s32 $0xAA00;
	s23 =	rddreg [dreg:$0x16]  }
0x175: {  	[hbm4b:s23+s3] =	stream.linear.scatter [tilespmem:s26], [sflag:$0x1], $0x8000, $0x38;
	[tilespmem:$0x12C00] =	vst v63  }
0x176: {  	s29 =	simm.s32 $0xA980;
	s28 =	rddreg [dreg:$0x17]  }
0x177: {  	[hbm4b:s28+s3] =	stream.linear.scatter [tilespmem:s29], [sflag:$0x1], $0x8000, $0x38;
	[tilespmem:$0x12C00] =	vst v63  }
0x178: {  	s31 =	simm.s32 $0xA900;
	s30 =	rddreg [dreg:$0x18]  }
0x179: {  	[hbm4b:s30+s3] =	stream.linear.scatter [tilespmem:s31], [sflag:$0x1], $0x8000, $0x38;
	[tilespmem:$0x12C00] =	vst v63  }
0x17a: {  	s5 =	simm.s32 $0xA880;
	s2 =	rddreg [dreg:$0x19]  }
0x17b: {  	[hbm4b:s2+s3] =	stream.linear.scatter [tilespmem:s5], [sflag:$0x1], $0x8000, $0x38;
	[tilespmem:$0x12C00] =	vst v63  }
0x17c: {  	s15 =	simm.s32 $0xA800;
	s14 =	rddreg [dreg:$0x1a]  }
0x17d: {  	[hbm4b:s14+s3] =	stream.linear.scatter [tilespmem:s15], [sflag:$0x1], $0x8000, $0x38;
	[tilespmem:$0x12C00] =	vst v63  }
0x17e: {  	s17 =	simm.s32 $0xA780;
	s16 =	rddreg [dreg:$0x1b]  }
0x17f: {  	[hbm4b:s16+s3] =	stream.linear.scatter [tilespmem:s17], [sflag:$0x1], $0x8000, $0x38;
	[tilespmem:$0x12C00] =	vst v63  }
0x180: {  	s18 =	rddreg [dreg:$0x1c];
	s19 =	simm.s32 $0xA700  }
0x181: {  	[hbm4b:s18+s3] =	stream.linear.scatter [tilespmem:s19], [sflag:$0x1], $0x8000, $0x38;
	[tilespmem:$0x12C00] =	vst v63  }
0x182: {  	s20 =	rddreg [dreg:$0x1d];
	s21 =	simm.s32 $0xA680  }
0x183: {  	[hbm4b:s20+s3] =	stream.linear.scatter [tilespmem:s21], [sflag:$0x1], $0x8000, $0x38;
	[tilespmem:$0x12C00] =	vst v63  }
0x184: {  	s22 =	rddreg [dreg:$0x1e];
	s23 =	simm.s32 $0xA600  }
0x185: {  	[hbm4b:s22+s3] =	stream.linear.scatter [tilespmem:s23], [sflag:$0x1], $0x8000, $0x38;
	[tilespmem:$0x12C00] =	vst v63  }
0x186: {  	s26 =	simm.s32 $0xA580  }
0x187: {  	[hbm4b:s6+s3] =	stream.linear.scatter [tilespmem:s26], [sflag:$0x1], $0x8000, $0x38;
	[tilespmem:$0x12C00] =	vst v63  }
0x188: {  	s28 =	simm.s32 $0xA500  }
0x189: {  	[hbm4b:s7+s3] =	stream.linear.scatter [tilespmem:s28], [sflag:$0x1], $0x8000, $0x38;
	[tilespmem:$0x12C00] =	vst v63  }
0x18a: {  	s29 =	simm.s32 $0xA480  }
0x18b: {  	[hbm4b:s8+s3] =	stream.linear.scatter [tilespmem:s29], [sflag:$0x1], $0x8000, $0x38;
	[tilespmem:$0x12C00] =	vst v63  }
0x18c: {  	s30 =	simm.s32 $0xA400  }
0x18d: {  	[hbm4b:s9+s3] =	stream.linear.scatter [tilespmem:s30], [sflag:$0x1], $0x8000, $0x38;
	[tilespmem:$0x12C00] =	vst v63  }
0x18e: {  	_ =	swait.ge [sflag:s12], $0x8000  }
0x18f: {  	[sflag:s12] =	ssyncset.done $0x0  }
0x190: {  	[sflag:s12] =	ssyncadd.s32 $0xFFFF8000  }
0x191: {  	_ =	swait.ge [sflag:s12], $0x8000  }
0x192: {  	[sflag:s12] =	ssyncset.done $0x0  }
0x193: {  	[sflag:s12] =	ssyncadd.s32 $0xFFFF8000  }
0x194: {  	_ =	swait.ge [sflag:s12], $0x8000  }
0x195: {  	[sflag:s12] =	ssyncset.done $0x0  }
0x196: {  	[sflag:s12] =	ssyncadd.s32 $0xFFFF8000  }
0x197: {  	_ =	swait.ge [sflag:s12], $0x8000  }
0x198: {  	[sflag:s12] =	ssyncset.done $0x0  }
0x199: {  	[sflag:s12] =	ssyncadd.s32 $0xFFFF8000  }
0x19a: {  	_ =	swait.ge [sflag:s12], $0x8000  }
0x19b: {  	[sflag:s12] =	ssyncset.done $0x0  }
0x19c: {  	[sflag:s12] =	ssyncadd.s32 $0xFFFF8000  }
0x19d: {  	_ =	swait.ge [sflag:s12], $0x8000  }
0x19e: {  	[sflag:s12] =	ssyncset.done $0x0  }
0x19f: {  	[sflag:s12] =	ssyncadd.s32 $0xFFFF8000  }
0x1a0: {  	_ =	swait.ge [sflag:s12], $0x8000  }
0x1a1: {  	[sflag:s12] =	ssyncset.done $0x0  }
0x1a2: {  	[sflag:s12] =	ssyncadd.s32 $0xFFFF8000  }
0x1a3: {  	_ =	swait.ge [sflag:s12], $0x8000  }
0x1a4: {  	[sflag:s12] =	ssyncset.done $0x0  }
0x1a5: {  	[sflag:s12] =	ssyncadd.s32 $0xFFFF8000  }
0x1a6: {  	_ =	swait.ge [sflag:s12], $0x8000  }
0x1a7: {  	[sflag:s12] =	ssyncset.done $0x0  }
0x1a8: {  	[sflag:s12] =	ssyncadd.s32 $0xFFFF8000  }
0x1a9: {  	_ =	swait.ge [sflag:s12], $0x8000  }
0x1aa: {  	[sflag:s12] =	ssyncset.done $0x0  }
0x1ab: {  	[sflag:s12] =	ssyncadd.s32 $0xFFFF8000  }
0x1ac: {  	_ =	swait.ge [sflag:s12], $0x8000  }
0x1ad: {  	[sflag:s12] =	ssyncset.done $0x0  }
0x1ae: {  	[sflag:s12] =	ssyncadd.s32 $0xFFFF8000  }
0x1af: {  	_ =	swait.ge [sflag:s12], $0x8000  }
0x1b0: {  	[sflag:s12] =	ssyncset.done $0x0  }
0x1b1: {  	[sflag:s12] =	ssyncadd.s32 $0xFFFF8000  }
0x1b2: {  	_ =	swait.ge [sflag:s12], $0x8000  }
0x1b3: {  	[sflag:s12] =	ssyncset.done $0x0  }
0x1b4: {  	[sflag:s12] =	ssyncadd.s32 $0xFFFF8000  }
0x1b5: {  	_ =	swait.ge [sflag:s12], $0x8000  }
0x1b6: {  	[sflag:s12] =	ssyncset.done $0x0  }
0x1b7: {  	[sflag:s12] =	ssyncadd.s32 $0xFFFF8000  }
0x1b8: {  	_ =	swait.ge [sflag:s12], $0x8000  }
0x1b9: {  	[sflag:s12] =	ssyncset.done $0x0  }
0x1ba: {  	[sflag:s12] =	ssyncadd.s32 $0xFFFF8000  }
0x1bb: {  	_ =	swait.ge [sflag:s12], $0x8000  }
0x1bc: {  	[sflag:s12] =	ssyncset.done $0x0  }
0x1bd: {  	[sflag:s12] =	ssyncadd.s32 $0xFFFF8000  }
0x1be: {  	_ =	swait.ge [sflag:s12], $0x8000  }
0x1bf: {  	[sflag:s12] =	ssyncset.done $0x0  }
0x1c0: {  	[sflag:s12] =	ssyncadd.s32 $0xFFFF8000  }
0x1c1: {  	_ =	swait.ge [sflag:s12], $0x8000  }
0x1c2: {  	[sflag:s12] =	ssyncset.done $0x0  }
0x1c3: {  	[sflag:s12] =	ssyncadd.s32 $0xFFFF8000  }
0x1c4: {  	_ =	swait.ge [sflag:s12], $0x8000  }
0x1c5: {  	[sflag:s12] =	ssyncset.done $0x0  }
0x1c6: {  	[sflag:s12] =	ssyncadd.s32 $0xFFFF8000  }
0x1c7: {  	_ =	swait.ge [sflag:s12], $0x8000  }
0x1c8: {  	[sflag:s12] =	ssyncset.done $0x0  }
0x1c9: {  	[sflag:s12] =	ssyncadd.s32 $0xFFFF8000  }
0x1ca: {  	_ =	swait.ge [sflag:s12], $0x8000  }
0x1cb: {  	[sflag:s12] =	ssyncset.done $0x0  }
0x1cc: {  	[sflag:s12] =	ssyncadd.s32 $0xFFFF8000  }
0x1cd: {  	_ =	swait.ge [sflag:s12], $0x8000  }
0x1ce: {  	[sflag:s12] =	ssyncset.done $0x0  }
0x1cf: {  	[sflag:s12] =	ssyncadd.s32 $0xFFFF8000  }
0x1d0: {  	_ =	swait.ge [sflag:s12], $0x8000  }
0x1d1: {  	[sflag:s12] =	ssyncset.done $0x0  }
0x1d2: {  	[sflag:s12] =	ssyncadd.s32 $0xFFFF8000  }
0x1d3: {  	_ =	swait.ge [sflag:s12], $0x8000  }
0x1d4: {  	[sflag:s12] =	ssyncset.done $0x0  }
0x1d5: {  	[sflag:s12] =	ssyncadd.s32 $0xFFFF8000  }
0x1d6: {  	_ =	swait.ge [sflag:s12], $0x8000  }
0x1d7: {  	[sflag:s12] =	ssyncset.done $0x0  }
0x1d8: {  	[sflag:s12] =	ssyncadd.s32 $0xFFFF8000  }
0x1d9: {  	_ =	swait.ge [sflag:s12], $0x8000  }
0x1da: {  	[sflag:s12] =	ssyncset.done $0x0  }
0x1db: {  	[sflag:s12] =	ssyncadd.s32 $0xFFFF8000  }
0x1dc: {  	_ =	swait.ge [sflag:s12], $0x8000  }
0x1dd: {  	[sflag:s12] =	ssyncset.done $0x0  }
0x1de: {  	[sflag:s12] =	ssyncadd.s32 $0xFFFF8000  }
0x1df: {  	_ =	swait.ge [sflag:s12], $0x8000  }
0x1e0: {  	[sflag:s12] =	ssyncset.done $0x0  }
0x1e1: {  	[sflag:s12] =	ssyncadd.s32 $0xFFFF8000  }
0x1e2: {  	_ =	swait.ge [sflag:s12], $0x8000  }
0x1e3: {  	[sflag:s12] =	ssyncset.done $0x0  }
0x1e4: {  	[sflag:s12] =	ssyncadd.s32 $0xFFFF8000  }
0x1e5: {  	_ =	swait.ge [sflag:s12], $0x8000  }
0x1e6: {  	[sflag:s12] =	ssyncset.done $0x0  }
0x1e7: {  	[sflag:s12] =	ssyncadd.s32 $0xFFFF8000  }
0x1e8: {  	_ =	swait.ge [sflag:s12], $0x8000  }
0x1e9: {  	[sflag:s12] =	ssyncset.done $0x0  }
0x1ea: {  	[sflag:s12] =	ssyncadd.s32 $0xFFFF8000  }
0x1eb: {  	_ =	swait.ge [sflag:s12], $0x8000  }
0x1ec: {  	s13 =	sadd.s32 $0x1, s13;
	s31 =	rddreg [dreg:$0x15]  }
0x1ed: {  	p0 =	sne.s32 s13, s31  }
.Ltmp2:
0x1ee: {  	_ = 	snop;
	(pc) =	sbr.rel @p0 .LBB2_1-.Ltmp2, $3  }
0x1ef: {  	_ =	sdelay $0x1  }
0x1f0: {  	[sflag:s12] =	ssyncset.done $0x0  }
0x1f1: {  	[sflag:s12] =	ssyncadd.s32 $0xFFFF8000  }
0x1f2: {  	_ =	sfence.sel $0x180000  }
0x1f3: {  	[bflag:$0x0] =	sbarrier.arrive $0xFFFF  }
0x1f4: {  	_ =	strace $0x90000047  }
0x1f5: {  	s0 =	stileid.u32;
	[bflag:$0x2] =	sbarrier.arrive $0xFFFF  }
0x1f6: {  	p0 =	sne.s32 s0, $0x0;
	s0 =	rddreg [dreg:$0x2]  }
0x1f7: {  	s0 =	sadd.s32 @!p0 $0x100000, s0  }
0x1f8: {  	[sflag:s0] =	ssyncadd.tile.s32 @!p0 $0x1;
	_ =	shalt  }
.Lfunc_end2:
_tile_overlayer_lowered:
.L_overlay_start_2:
0x1f9: {  	(tag) =	ssettag $0x2  }
0x1fa: {  	s0 =	rddreg [dreg:$0x0];
	s2 =	stileid.u32  }
0x1fb: {  	s1 =	rddreg [dreg:$0x1];
	p0 =	sne.s32 s2, $0x0  }
0x1fc: {  	s3 =	rddreg [dreg:$0x2];
	[bflag:$0x3] =	sbarrier.arrive $0xFFFF;
	s2 =	simm.s32 @!p0 $0x1C02  }
0x1fd: {  	[timem:s3], [sflag:s2] =	dma.local @!p0 [hbm:s0], s1  }
0x1fe: {  	s0 =	simm.s32 @!p0 $0x2  }
0x1ff: {  	_ =	swait.ge @!p0 [sflag:s0], s1  }
0x200: {  	s1 =	ssub.s32 @!p0 $0x0, s1;
	[sflag:s0] =	ssyncset.done @!p0 $0x0  }
0x201: {  	[sflag:s0] =	ssyncadd.s32 @!p0 s1  }
0x202: {  	[bflag:$0x3] =	sbarrier.arrive $0xFFFF  }
0x203: {  	_ =	shalt  }

</sc_bundles>
